<compile_context>
chip_gen: v7x
topology: tpu7x:2x2x1
jax: 0.10.2.dev20260603
libtpu: 0.0.44.dev20260713+nightly
codegen_flags: <defaults>
</compile_context>

<pallas_src>
import functools

import jax
import jax.numpy as jnp
from jax import lax
from jax.experimental import pallas as pl
from jax.experimental.pallas import tpu as pltpu
from jax.experimental.pallas import tpu_sc as plsc

N = 10000
E = 320000
G = 128
HID = 128

NC = 2
NS = 16
NW = NC * NS
EPW = E // NW
CHUNK = 80
NCHUNKS = 125
PADE = NCHUNKS * CHUNK
RPS = 640
NPAD = NS * RPS

BN_INV = 1.0 / (1.0 + 1e-5) ** 0.5


def _vector_mesh():
    return plsc.VectorSubcoreMesh(core_axis_name="c", subcore_axis_name="s")


HDEPTH = 4


def _sc_histogram(s3, d3):

    @functools.partial(
        pl.kernel,
        out_type=jax.ShapeDtypeStruct((NC, 2, NPAD), jnp.float32),
        mesh=_vector_mesh(),
        scratch_types=[
            pltpu.VMEM((NCHUNKS, CHUNK), jnp.int32),
            pltpu.VMEM((NCHUNKS, CHUNK), jnp.int32),
            pltpu.VMEM((CHUNK,), jnp.float32),
            pltpu.VMEM((RPS,), jnp.float32),
            pltpu.VMEM_SHARED((NPAD,), jnp.float32),
            pltpu.VMEM_SHARED((NPAD,), jnp.float32),
            pltpu.SemaphoreType.DMA,
            pltpu.SemaphoreType.DMA,
        ],
    )
    def hist(s3_hbm, d3_hbm, degp_hbm,
             sidx, didx, ones_v, zbuf, acc_s, acc_d, sem_a, sem_b):
        cid = lax.axis_index("c")
        sid = lax.axis_index("s")
        wid = cid * NS + sid
        pltpu.sync_copy(s3_hbm.at[wid], sidx)
        pltpu.sync_copy(d3_hbm.at[wid], didx)

        @pl.loop(0, CHUNK, step=16)
        def _(c):
            ones_v.at[pl.ds(c, 16)][...] = jnp.ones((16,), jnp.float32)

        @pl.loop(0, RPS, step=16)
        def _(c):
            zbuf.at[pl.ds(c, 16)][...] = jnp.zeros((16,), jnp.float32)

        pltpu.sync_copy(zbuf, acc_s.at[pl.ds(sid * RPS, RPS)])
        pltpu.sync_copy(zbuf, acc_d.at[pl.ds(sid * RPS, RPS)])
        plsc.subcore_barrier()

        @pl.loop(0, NCHUNKS)
        def _(k):
            @pl.when(k >= HDEPTH)
            def _():
                pltpu.make_async_copy(ones_v, acc_s.at[sidx.at[0]],
                                      sem_a).wait()
                pltpu.make_async_copy(ones_v, acc_d.at[didx.at[0]],
                                      sem_b).wait()

            pltpu.async_copy(ones_v, acc_s.at[sidx.at[k]], sem_a, add=True)
            pltpu.async_copy(ones_v, acc_d.at[didx.at[k]], sem_b, add=True)

        for _ in range(HDEPTH):
            pltpu.make_async_copy(ones_v, acc_s.at[sidx.at[0]], sem_a).wait()
            pltpu.make_async_copy(ones_v, acc_d.at[didx.at[0]], sem_b).wait()

        plsc.subcore_barrier()
        pltpu.sync_copy(acc_s.at[pl.ds(sid * RPS, RPS)],
                        degp_hbm.at[cid, 0, pl.ds(sid * RPS, RPS)])
        pltpu.sync_copy(acc_d.at[pl.ds(sid * RPS, RPS)],
                        degp_hbm.at[cid, 1, pl.ds(sid * RPS, RPS)])

    return hist(s3, d3)


_AGG_KERNEL_CACHE = []


def _sc_aggregate(h, s3, d3):
    if _AGG_KERNEL_CACHE:
        return _AGG_KERNEL_CACHE[0](h, s3, d3)

    @functools.partial(
        pl.kernel,
        out_type=jax.ShapeDtypeStruct((NC, NPAD, HID), jnp.float32),
        mesh=_vector_mesh(),
        scratch_types=[
            pltpu.VMEM((NCHUNKS, CHUNK), jnp.int32),
            pltpu.VMEM((NCHUNKS, CHUNK), jnp.int32),
            pltpu.VMEM((CHUNK, HID), jnp.float32),
            pltpu.VMEM_SHARED((NPAD, HID), jnp.float32),
        ],
    )
    def agg(h_hbm, s3_hbm, d3_hbm, out_hbm, sidx, didx, rows, acc):
        cid = lax.axis_index("c")
        sid = lax.axis_index("s")
        wid = cid * NS + sid
        pltpu.sync_copy(s3_hbm.at[wid], sidx)
        pltpu.sync_copy(d3_hbm.at[wid], didx)

        @pl.loop(0, CHUNK)
        def _(r):
            @pl.loop(0, HID, step=16)
            def _(c):
                rows.at[pl.ds(r, 1), pl.ds(c, 16)][...] = (
                    jnp.zeros((1, 16), jnp.float32))

        @pl.loop(0, RPS, step=CHUNK)
        def _(r):
            pltpu.sync_copy(rows, acc.at[pl.ds(sid * RPS + r, CHUNK)])

        plsc.subcore_barrier()

        @pl.loop(0, NCHUNKS)
        def _(k):
            pltpu.sync_copy(h_hbm.at[sidx.at[k]], rows)
            pltpu.sync_copy(rows, acc.at[didx.at[k]], add=True)

        plsc.subcore_barrier()
        pltpu.sync_copy(acc.at[pl.ds(sid * RPS, RPS)],
                        out_hbm.at[cid, pl.ds(sid * RPS, RPS)])

    _AGG_KERNEL_CACHE.append(agg)
    return agg(h, s3, d3)


def _tc_scale(degp, x, W1):

    def body(degp_ref, x_ref, w_ref, h_ref, c_ref, d_ref):
        dp = degp_ref[...]
        deg_o = dp[0, 0, :N, 0:1] + dp[1, 0, :N, 0:1]
        deg_i = dp[0, 1, :N, 0:1] + dp[1, 1, :N, 0:1]
        c = lax.rsqrt(jnp.maximum(deg_o, 1.0))
        d = lax.rsqrt(jnp.maximum(deg_i, 1.0))
        y1 = jnp.dot(x_ref[...], w_ref[...], preferred_element_type=jnp.float32)
        h_ref[pl.ds(0, N), :] = y1 * c
        h_ref[pl.ds(N, NPAD - N), :] = jnp.zeros((NPAD - N, HID), jnp.float32)
        c_ref[...] = c
        d_ref[...] = d

    return pl.pallas_call(
        body,
        out_shape=(
            jax.ShapeDtypeStruct((NPAD, HID), jnp.float32),
            jax.ShapeDtypeStruct((N, 1), jnp.float32),
            jax.ShapeDtypeStruct((N, 1), jnp.float32),
        ),
    )(degp, x, W1)


def _tc_mid(p1, c, d, b1, W2):

    def body(p_ref, c_ref, d_ref, b_ref, w_ref, o_ref):
        p = p_ref[...]
        agg = p[0, :N, :] + p[1, :N, :]
        h = jnp.maximum(agg * d_ref[...] + b_ref[...], 0.0)
        y = jnp.dot(h, w_ref[...], preferred_element_type=jnp.float32)
        o_ref[pl.ds(0, N), :] = y * c_ref[...]
        o_ref[pl.ds(N, NPAD - N), :] = jnp.zeros((NPAD - N, HID), jnp.float32)

    return pl.pallas_call(
        body,
        out_shape=jax.ShapeDtypeStruct((NPAD, HID), jnp.float32),
    )(p1, c, d, b1, W2)


def _tc_head(p2, d, b2, gids, bn_gamma, bn_beta, fc1_W, fc1_b, fc2_W, fc2_b):
    out_dim = fc2_W.shape[1]

    def body(p_ref, d_ref, b_ref, g_ref, gs_ref, gb_ref,
             w1_ref, b1_ref, w2_ref, b2_ref, emb_ref, out_ref):
        p = p_ref[...]
        h2 = jnp.maximum((p[0, :N, :] + p[1, :N, :]) * d_ref[...] + b_ref[...],
                         0.0)
        gid = g_ref[...]
        cols = lax.broadcasted_iota(jnp.int32, (1, G), 1)
        mask = (gid == cols).astype(jnp.float32)
        emb = lax.dot_general(mask, h2, (((0,), (0,)), ((), ())),
                              preferred_element_type=jnp.float32)
        emb_ref[...] = emb
        z = emb * BN_INV * gs_ref[...] + gb_ref[...]
        z = jnp.maximum(
            jnp.dot(z, w1_ref[...], preferred_element_type=jnp.float32)
            + b1_ref[...], 0.0)
        logits = (jnp.dot(z, w2_ref[...], preferred_element_type=jnp.float32)
                  + b2_ref[...])
        m = jnp.max(logits, axis=-1, keepdims=True)
        s = logits - m
        lse = jnp.log(jnp.sum(jnp.exp(s), axis=-1, keepdims=True))
        out_ref[...] = s - lse

    return pl.pallas_call(
        body,
        out_shape=(
            jax.ShapeDtypeStruct((G, HID), jnp.float32),
            jax.ShapeDtypeStruct((G, out_dim), jnp.float32),
        ),
    )(p2, d, b2, gids, bn_gamma, bn_beta, fc1_W, fc1_b, fc2_W, fc2_b)


def kernel(x, edge_index, graph_ids, W1, b1, W2, b2, bn_gamma, bn_beta,
           fc1_W, fc1_b, fc2_W, fc2_b):
    e = edge_index.reshape(2, NW, EPW)
    pad = jnp.full((2, NW, PADE - EPW), N, jnp.int32)
    e3 = jnp.concatenate([e, pad], axis=2).reshape(2, NW, NCHUNKS, CHUNK)
    s3, d3 = e3[0], e3[1]
    degp = _sc_histogram(s3, d3).reshape(NC, 2, NPAD, 1)
    h1pre, c, d = _tc_scale(degp, x, W1)
    p1 = _sc_aggregate(h1pre, s3, d3)
    h2pre = _tc_mid(p1, c, d, b1.reshape(1, -1), W2)
    p2 = _sc_aggregate(h2pre, s3, d3)
    emb, logp = _tc_head(
        p2, d, b2.reshape(1, -1), graph_ids.reshape(-1, 1),
        bn_gamma.reshape(1, -1), bn_beta.reshape(1, -1),
        fc1_W, fc1_b.reshape(1, -1), fc2_W, fc2_b.reshape(1, -1))
    return (emb, logp)

# --- scband reference (transcript-rebuilt; emitter-appended) ---
"""Pipeline reference for scband-gnn-77764677861850 (READ-ONLY COPY).

The authoritative reference and input builder live on the scoring server;
editing this copy changes nothing except your own understanding.
"""

import jax, jax.numpy as jnp
import numpy as np

N = 10000
E = 320000
IN_FEAT = 128
HID = 128
OUT = 40
G = 128


def setup_inputs(seed: int = 0):
    key = jax.random.key(seed)
    ks = jax.random.split(key, 8)
    x = jax.random.normal(ks[0], (N, IN_FEAT), dtype=jnp.float32)
    edge_index = jax.random.randint(ks[1], (2, E), 0, N, dtype=jnp.int32)
    graph_ids = jnp.sort(jax.random.randint(ks[2], (N,), 0, G, dtype=jnp.int32))

    def lin(k, fan_in, shape):
        return jax.random.uniform(k, shape, jnp.float32, -1.0, 1.0) / np.sqrt(fan_in)

    W1 = lin(ks[3], IN_FEAT, (IN_FEAT, HID))
    b1 = jnp.zeros((HID,), jnp.float32)
    W2 = lin(ks[4], HID, (HID, HID))
    b2 = jnp.zeros((HID,), jnp.float32)
    bn_gamma = jnp.ones((HID,), jnp.float32)
    bn_beta = jnp.zeros((HID,), jnp.float32)
    fc1_W = lin(ks[5], HID, (HID, HID))
    fc1_b = jnp.zeros((HID,), jnp.float32)
    fc2_W = lin(ks[6], HID, (HID, OUT))
    fc2_b = jnp.zeros((OUT,), jnp.float32)
    return {"x": x, "edge_index": edge_index, "graph_ids": graph_ids,
            "W1": W1, "b1": b1, "W2": W2, "b2": b2,
            "bn_gamma": bn_gamma, "bn_beta": bn_beta,
            "fc1_W": fc1_W, "fc1_b": fc1_b, "fc2_W": fc2_W, "fc2_b": fc2_b}


def _graph_conv(x, src, dst, W, b):
    # DGL GraphConv with norm='both': h = D_in^{-1/2} A (D_out^{-1/2} x W) + b
    ones = jnp.ones((src.shape[0],), x.dtype)
    deg_out = jnp.clip(jax.ops.segment_sum(ones, src, num_segments=N), 1.0, None)
    deg_in = jnp.clip(jax.ops.segment_sum(ones, dst, num_segments=N), 1.0, None)
    h = x * (deg_out ** -0.5)[:, None]
    h = h @ W
    agg = jax.ops.segment_sum(h[src], dst, num_segments=N)
    return agg * (deg_in ** -0.5)[:, None] + b


def reference(x, edge_index, graph_ids, W1, b1, W2, b2, bn_gamma, bn_beta, fc1_W, fc1_b, fc2_W, fc2_b):
    src, dst = edge_index[0], edge_index[1]
    h = jax.nn.relu(_graph_conv(x, src, dst, W1, b1))
    # dropout is identity in eval mode
    h = jax.nn.relu(_graph_conv(h, src, dst, W2, b2))
    # SumPooling readout over batched graphs
    embedding = jax.ops.segment_sum(h, graph_ids, num_segments=G)
    # BatchNorm1d in eval mode: running_mean=0, running_var=1
    out = embedding / jnp.sqrt(1.0 + 1e-5) * bn_gamma + bn_beta
    out = jax.nn.relu(out @ fc1_W + fc1_b)
    out = out @ fc2_W + fc2_b
    return (embedding, jax.nn.log_softmax(out, axis=-1))

if __name__ == "__main__":
    import jax
    _d = setup_inputs()
    print(jax.jit(kernel)(*tuple(_d.values())))

</pallas_src>

<mosaic_0001>
#map = affine_map<(d0, d1) -> (0, 0)>
#map1 = affine_map<(d0, d1) -> (0, 0, 0)>
module attributes {stable_mosaic.version = 14 : i64} {
  func.func @agg(%arg0: i32, %arg1: i32, %arg2: memref<10240x128xf32, #tpu.memory_space<hbm>>, %arg3: memref<32x125x80xi32, #tpu.memory_space<hbm>>, %arg4: memref<32x125x80xi32, #tpu.memory_space<hbm>>, %arg5: memref<2x10240x128xf32, #tpu.memory_space<hbm>>, %arg6: memref<125x80xi32, #tpu.memory_space<vmem>>, %arg7: memref<125x80xi32, #tpu.memory_space<vmem>>, %arg8: memref<80x128xf32, #tpu.memory_space<vmem>>, %arg9: memref<10240x128xf32, #tpu.memory_space<vmem_shared>>) attributes {dimension_semantics = [#tpu.dimension_semantics<core_parallel>, #tpu.dimension_semantics<subcore_parallel>], iteration_bounds = array<i64: 2, 16>, scalar_prefetch = 0 : i64, scratch_operands = 4 : i64, tpu.core_type = #tpu.core_type<sc_vector_subcore>, window_params = [{transform_indices = #map}, {transform_indices = #map1}, {transform_indices = #map1}, {transform_indices = #map1}]} {
    %mul3A = arith.constant 16 : i32
    %mul3A_0 = arith.muli %arg0, %mul3A : i32
    %add3A = arith.addi %mul3A_0, %arg1 : i32
    "tpu.region"() ({
      %run_scoped3A = tpu.sem_alloc : memref<!tpu.dma_semaphore, #tpu.memory_space<semaphore_mem>>
      %dma_start3A = arith.constant 0 : i32
      %dma_start3A_20 = arith.constant 0 : i32
      %dma_start3A_21 = tpu.memref_slice %arg3[%add3A, %dma_start3A, %dma_start3A_20] : memref<32x125x80xi32, #tpu.memory_space<hbm>> -> memref<1x125x80xi32, #tpu.memory_space<hbm>>
      %dma_start3A_22 = tpu.memref_squeeze %dma_start3A_21 : memref<1x125x80xi32, #tpu.memory_space<hbm>> -> memref<125x80xi32, #tpu.memory_space<hbm>>
      %dma_start3A_23 = arith.constant 0 : i32
      %dma_start3A_24 = arith.constant 0 : i32
      %dma_start3A_25 = tpu.memref_slice %arg3[%add3A, %dma_start3A_23, %dma_start3A_24] : memref<32x125x80xi32, #tpu.memory_space<hbm>> -> memref<1x125x80xi32, #tpu.memory_space<hbm>>
      %dma_start3A_26 = tpu.memref_squeeze %dma_start3A_25 : memref<1x125x80xi32, #tpu.memory_space<hbm>> -> memref<125x80xi32, #tpu.memory_space<hbm>>
      tpu.enqueue_dma source(%dma_start3A_26 : memref<125x80xi32, #tpu.memory_space<hbm>>) target(%arg6 : memref<125x80xi32, #tpu.memory_space<vmem>>) target_semaphore(%run_scoped3A : memref<!tpu.dma_semaphore, #tpu.memory_space<semaphore_mem>>)
      %dma_wait3A = arith.constant 0 : i32
      %dma_wait3A_27 = arith.constant 0 : i32
      %dma_wait3A_28 = tpu.memref_slice %arg3[%add3A, %dma_wait3A, %dma_wait3A_27] : memref<32x125x80xi32, #tpu.memory_space<hbm>> -> memref<1x125x80xi32, #tpu.memory_space<hbm>>
      %dma_wait3A_29 = tpu.memref_squeeze %dma_wait3A_28 : memref<1x125x80xi32, #tpu.memory_space<hbm>> -> memref<125x80xi32, #tpu.memory_space<hbm>>
      %dma_wait3A_30 = arith.constant 0 : i32
      %dma_wait3A_31 = arith.constant 0 : i32
      %dma_wait3A_32 = tpu.memref_slice %arg3[%add3A, %dma_wait3A_30, %dma_wait3A_31] : memref<32x125x80xi32, #tpu.memory_space<hbm>> -> memref<1x125x80xi32, #tpu.memory_space<hbm>>
      %dma_wait3A_33 = tpu.memref_squeeze %dma_wait3A_32 : memref<1x125x80xi32, #tpu.memory_space<hbm>> -> memref<125x80xi32, #tpu.memory_space<hbm>>
      tpu.wait_dma2 semaphore(%run_scoped3A : memref<!tpu.dma_semaphore, #tpu.memory_space<semaphore_mem>>) src(%dma_wait3A_33 : memref<125x80xi32, #tpu.memory_space<hbm>>) dst(%arg6 : memref<125x80xi32, #tpu.memory_space<vmem>>)
      tpu.yield
    }) : () -> ()
    "tpu.region"() ({
      %run_scoped3A = tpu.sem_alloc : memref<!tpu.dma_semaphore, #tpu.memory_space<semaphore_mem>>
      %dma_start3A = arith.constant 0 : i32
      %dma_start3A_20 = arith.constant 0 : i32
      %dma_start3A_21 = tpu.memref_slice %arg4[%add3A, %dma_start3A, %dma_start3A_20] : memref<32x125x80xi32, #tpu.memory_space<hbm>> -> memref<1x125x80xi32, #tpu.memory_space<hbm>>
      %dma_start3A_22 = tpu.memref_squeeze %dma_start3A_21 : memref<1x125x80xi32, #tpu.memory_space<hbm>> -> memref<125x80xi32, #tpu.memory_space<hbm>>
      %dma_start3A_23 = arith.constant 0 : i32
      %dma_start3A_24 = arith.constant 0 : i32
      %dma_start3A_25 = tpu.memref_slice %arg4[%add3A, %dma_start3A_23, %dma_start3A_24] : memref<32x125x80xi32, #tpu.memory_space<hbm>> -> memref<1x125x80xi32, #tpu.memory_space<hbm>>
      %dma_start3A_26 = tpu.memref_squeeze %dma_start3A_25 : memref<1x125x80xi32, #tpu.memory_space<hbm>> -> memref<125x80xi32, #tpu.memory_space<hbm>>
      tpu.enqueue_dma source(%dma_start3A_26 : memref<125x80xi32, #tpu.memory_space<hbm>>) target(%arg7 : memref<125x80xi32, #tpu.memory_space<vmem>>) target_semaphore(%run_scoped3A : memref<!tpu.dma_semaphore, #tpu.memory_space<semaphore_mem>>)
      %dma_wait3A = arith.constant 0 : i32
      %dma_wait3A_27 = arith.constant 0 : i32
      %dma_wait3A_28 = tpu.memref_slice %arg4[%add3A, %dma_wait3A, %dma_wait3A_27] : memref<32x125x80xi32, #tpu.memory_space<hbm>> -> memref<1x125x80xi32, #tpu.memory_space<hbm>>
      %dma_wait3A_29 = tpu.memref_squeeze %dma_wait3A_28 : memref<1x125x80xi32, #tpu.memory_space<hbm>> -> memref<125x80xi32, #tpu.memory_space<hbm>>
      %dma_wait3A_30 = arith.constant 0 : i32
      %dma_wait3A_31 = arith.constant 0 : i32
      %dma_wait3A_32 = tpu.memref_slice %arg4[%add3A, %dma_wait3A_30, %dma_wait3A_31] : memref<32x125x80xi32, #tpu.memory_space<hbm>> -> memref<1x125x80xi32, #tpu.memory_space<hbm>>
      %dma_wait3A_33 = tpu.memref_squeeze %dma_wait3A_32 : memref<1x125x80xi32, #tpu.memory_space<hbm>> -> memref<125x80xi32, #tpu.memory_space<hbm>>
      tpu.wait_dma2 semaphore(%run_scoped3A : memref<!tpu.dma_semaphore, #tpu.memory_space<semaphore_mem>>) src(%dma_wait3A_33 : memref<125x80xi32, #tpu.memory_space<hbm>>) dst(%arg7 : memref<125x80xi32, #tpu.memory_space<vmem>>)
      tpu.yield
    }) : () -> ()
    %scan3A = arith.constant 0 : i32
    %scan3A_1 = arith.constant 80 : i32
    %scan3A_2 = arith.addi %scan3A, %scan3A_1 : i32
    %scan3A_3 = arith.constant 1 : i32
    scf.for %scan3A_20 = %scan3A to %scan3A_2 step %scan3A_3  : i32 {
      %mul3A_21 = arith.constant 1 : i32
      %mul3A_22 = arith.muli %scan3A_20, %mul3A_21 : i32
      %add3A_23 = arith.constant 0 : i32
      %add3A_24 = arith.addi %add3A_23, %mul3A_22 : i32
      %scan3A_25 = arith.constant 0 : i32
      %scan3A_26 = arith.constant 8 : i32
      %scan3A_27 = arith.addi %scan3A_25, %scan3A_26 : i32
      %scan3A_28 = arith.constant 1 : i32
      scf.for %scan3A_30 = %scan3A_25 to %scan3A_27 step %scan3A_28  : i32 {
        %mul3A_31 = arith.constant 16 : i32
        %mul3A_32 = arith.muli %scan3A_30, %mul3A_31 : i32
        %add3A_33 = arith.constant 0 : i32
        %add3A_34 = arith.addi %add3A_33, %mul3A_32 : i32
        %broadcast_in_dim3A = arith.constant 0.000000e+00 : f32
        %broadcast_in_dim3A_35 = vector.broadcast %broadcast_in_dim3A : f32 to vector<1x16xf32>
        %swap3A = arith.index_cast %add3A_24 : i32 to index
        %swap3A_36 = arith.index_cast %add3A_34 : i32 to index
        %swap3A_37 = tpu.vector_load %arg8[%swap3A, %swap3A_36] {strides = array<i32>} : memref<80x128xf32, #tpu.memory_space<vmem>>, vector<1x16xf32>,
        %swap3A_38 = vector.shape_cast %swap3A_37 : vector<1x16xf32> to vector<1x16xf32>
        %swap3A_39 = vector.shape_cast %broadcast_in_dim3A_35 : vector<1x16xf32> to vector<1x16xf32>
        tpu.vector_store %arg8[%swap3A, %swap3A_36], %swap3A_39 {strides = array<i32>} : memref<80x128xf32, #tpu.memory_space<vmem>>, vector<1x16xf32>,
      }
      %scan3A_29 = arith.constant 8 : i32
    }
    %scan3A_4 = arith.constant 80 : i32
    %scan3A_5 = arith.constant 0 : i32
    %scan3A_6 = arith.constant 8 : i32
    %scan3A_7 = arith.addi %scan3A_5, %scan3A_6 : i32
    %scan3A_8 = arith.constant 1 : i32
    scf.for %scan3A_20 = %scan3A_5 to %scan3A_7 step %scan3A_8  : i32 {
      %mul3A_21 = arith.constant 80 : i32
      %mul3A_22 = arith.muli %scan3A_20, %mul3A_21 : i32
      %add3A_23 = arith.constant 0 : i32
      %add3A_24 = arith.addi %add3A_23, %mul3A_22 : i32
      %mul3A_25 = arith.constant 640 : i32
      %mul3A_26 = arith.muli %arg1, %mul3A_25 : i32
      %add3A_27 = arith.addi %mul3A_26, %add3A_24 : i32
      "tpu.region"() ({
        %run_scoped3A = tpu.sem_alloc : memref<!tpu.dma_semaphore, #tpu.memory_space<semaphore_mem>>
        %dma_start3A = arith.constant 0 : i32
        %dma_start3A_28 = tpu.memref_slice %arg9[%add3A_27, %dma_start3A] : memref<10240x128xf32, #tpu.memory_space<vmem_shared>> -> memref<80x128xf32, #tpu.memory_space<vmem_shared>>
        %dma_start3A_29 = arith.constant 0 : i32
        %dma_start3A_30 = tpu.memref_slice %arg9[%add3A_27, %dma_start3A_29] : memref<10240x128xf32, #tpu.memory_space<vmem_shared>> -> memref<80x128xf32, #tpu.memory_space<vmem_shared>>
        tpu.enqueue_dma source(%arg8 : memref<80x128xf32, #tpu.memory_space<vmem>>) target(%dma_start3A_30 : memref<80x128xf32, #tpu.memory_space<vmem_shared>>) target_semaphore(%run_scoped3A : memref<!tpu.dma_semaphore, #tpu.memory_space<semaphore_mem>>)
        %dma_wait3A = arith.constant 0 : i32
        %dma_wait3A_31 = tpu.memref_slice %arg9[%add3A_27, %dma_wait3A] : memref<10240x128xf32, #tpu.memory_space<vmem_shared>> -> memref<80x128xf32, #tpu.memory_space<vmem_shared>>
        %dma_wait3A_32 = arith.constant 0 : i32
        %dma_wait3A_33 = tpu.memref_slice %arg9[%add3A_27, %dma_wait3A_32] : memref<10240x128xf32, #tpu.memory_space<vmem_shared>> -> memref<80x128xf32, #tpu.memory_space<vmem_shared>>
        tpu.wait_dma2 semaphore(%run_scoped3A : memref<!tpu.dma_semaphore, #tpu.memory_space<semaphore_mem>>) src(%arg8 : memref<80x128xf32, #tpu.memory_space<vmem>>) dst(%dma_wait3A_33 : memref<80x128xf32, #tpu.memory_space<vmem_shared>>)
        tpu.yield
      }) : () -> ()
    }
    %scan3A_9 = arith.constant 8 : i32
    %barrier3A = arith.constant 0 : index
    tpu.barrier barrier_id(%barrier3A)
    %scan3A_10 = arith.constant 0 : i32
    %scan3A_11 = arith.constant 125 : i32
    %scan3A_12 = arith.addi %scan3A_10, %scan3A_11 : i32
    %scan3A_13 = arith.constant 1 : i32
    scf.for %scan3A_20 = %scan3A_10 to %scan3A_12 step %scan3A_13  : i32 {
      %mul3A_21 = arith.constant 1 : i32
      %mul3A_22 = arith.muli %scan3A_20, %mul3A_21 : i32
      %add3A_23 = arith.constant 0 : i32
      %add3A_24 = arith.addi %add3A_23, %mul3A_22 : i32
      "tpu.region"() ({
        %run_scoped3A = tpu.sem_alloc : memref<!tpu.dma_semaphore, #tpu.memory_space<semaphore_mem>>
        %dma_start3A = arith.constant 0 : i32
        %dma_start3A_25 = tpu.memref_slice %arg6[%add3A_24, %dma_start3A] : memref<125x80xi32, #tpu.memory_space<vmem>> -> memref<1x80xi32, #tpu.memory_space<vmem>>
        %dma_start3A_26 = tpu.memref_squeeze %dma_start3A_25 : memref<1x80xi32, #tpu.memory_space<vmem>> -> memref<80xi32, #tpu.memory_space<vmem>>
        %dma_start3A_27 = arith.constant 0 : i32
        %dma_start3A_28 = arith.constant 0 : i32
        %dma_start3A_29 = tpu.memref_slice %arg2[%dma_start3A_27, %dma_start3A_28] : memref<10240x128xf32, #tpu.memory_space<hbm>> -> memref<10240x128xf32, #tpu.memory_space<hbm>>
        tpu.enqueue_indirect_dma source(%dma_start3A_29 : memref<10240x128xf32, #tpu.memory_space<hbm>>) target(%arg8 : memref<80x128xf32, #tpu.memory_space<vmem>>) offsets(%dma_start3A_26 : memref<80xi32, #tpu.memory_space<vmem>>) semaphore(%run_scoped3A : memref<!tpu.dma_semaphore, #tpu.memory_space<semaphore_mem>>)
        %dma_wait3A = arith.constant 0 : i32
        %dma_wait3A_30 = tpu.memref_slice %arg6[%add3A_24, %dma_wait3A] : memref<125x80xi32, #tpu.memory_space<vmem>> -> memref<1x80xi32, #tpu.memory_space<vmem>>
        %dma_wait3A_31 = tpu.memref_squeeze %dma_wait3A_30 : memref<1x80xi32, #tpu.memory_space<vmem>> -> memref<80xi32, #tpu.memory_space<vmem>>
        %dma_wait3A_32 = arith.constant 0 : i32
        %dma_wait3A_33 = arith.constant 0 : i32
        %dma_wait3A_34 = tpu.memref_slice %arg2[%dma_wait3A_32, %dma_wait3A_33] : memref<10240x128xf32, #tpu.memory_space<hbm>> -> memref<10240x128xf32, #tpu.memory_space<hbm>>
        tpu.wait_indirect_dma semaphore(%run_scoped3A : memref<!tpu.dma_semaphore, #tpu.memory_space<semaphore_mem>>) src(%dma_wait3A_34 : memref<10240x128xf32, #tpu.memory_space<hbm>>) dst(%arg8 : memref<80x128xf32, #tpu.memory_space<vmem>>)
        tpu.yield
      }) : () -> ()
      "tpu.region"() ({
        %run_scoped3A = tpu.sem_alloc : memref<!tpu.dma_semaphore, #tpu.memory_space<semaphore_mem>>
        %dma_start3A = arith.constant 0 : i32
        %dma_start3A_25 = tpu.memref_slice %arg7[%add3A_24, %dma_start3A] : memref<125x80xi32, #tpu.memory_space<vmem>> -> memref<1x80xi32, #tpu.memory_space<vmem>>
        %dma_start3A_26 = tpu.memref_squeeze %dma_start3A_25 : memref<1x80xi32, #tpu.memory_space<vmem>> -> memref<80xi32, #tpu.memory_space<vmem>>
        %dma_start3A_27 = arith.constant 0 : i32
        %dma_start3A_28 = arith.constant 0 : i32
        %dma_start3A_29 = tpu.memref_slice %arg9[%dma_start3A_27, %dma_start3A_28] : memref<10240x128xf32, #tpu.memory_space<vmem_shared>> -> memref<10240x128xf32, #tpu.memory_space<vmem_shared>>
        tpu.enqueue_indirect_dma source(%arg8 : memref<80x128xf32, #tpu.memory_space<vmem>>) target(%dma_start3A_29 : memref<10240x128xf32, #tpu.memory_space<vmem_shared>>) offsets(%dma_start3A_26 : memref<80xi32, #tpu.memory_space<vmem>>) semaphore(%run_scoped3A : memref<!tpu.dma_semaphore, #tpu.memory_space<semaphore_mem>>) {add = true}
        %dma_wait3A = arith.constant 0 : i32
        %dma_wait3A_30 = tpu.memref_slice %arg7[%add3A_24, %dma_wait3A] : memref<125x80xi32, #tpu.memory_space<vmem>> -> memref<1x80xi32, #tpu.memory_space<vmem>>
        %dma_wait3A_31 = tpu.memref_squeeze %dma_wait3A_30 : memref<1x80xi32, #tpu.memory_space<vmem>> -> memref<80xi32, #tpu.memory_space<vmem>>
        %dma_wait3A_32 = arith.constant 0 : i32
        %dma_wait3A_33 = arith.constant 0 : i32
        %dma_wait3A_34 = tpu.memref_slice %arg9[%dma_wait3A_32, %dma_wait3A_33] : memref<10240x128xf32, #tpu.memory_space<vmem_shared>> -> memref<10240x128xf32, #tpu.memory_space<vmem_shared>>
        tpu.wait_indirect_dma semaphore(%run_scoped3A : memref<!tpu.dma_semaphore, #tpu.memory_space<semaphore_mem>>) src(%arg8 : memref<80x128xf32, #tpu.memory_space<vmem>>) dst(%dma_wait3A_34 : memref<10240x128xf32, #tpu.memory_space<vmem_shared>>)
        tpu.yield
      }) : () -> ()
    }
    %scan3A_14 = arith.constant 125 : i32
    %barrier3A_15 = arith.constant 0 : index
    tpu.barrier barrier_id(%barrier3A_15)
    %mul3A_16 = arith.constant 640 : i32
    %mul3A_17 = arith.muli %arg1, %mul3A_16 : i32
    %mul3A_18 = arith.constant 640 : i32
    %mul3A_19 = arith.muli %arg1, %mul3A_18 : i32
    "tpu.region"() ({
      %run_scoped3A = tpu.sem_alloc : memref<!tpu.dma_semaphore, #tpu.memory_space<semaphore_mem>>
      %dma_start3A = arith.constant 0 : i32
      %dma_start3A_20 = tpu.memref_slice %arg5[%arg0, %mul3A_19, %dma_start3A] : memref<2x10240x128xf32, #tpu.memory_space<hbm>> -> memref<1x640x128xf32, #tpu.memory_space<hbm>>
      %dma_start3A_21 = tpu.memref_squeeze %dma_start3A_20 : memref<1x640x128xf32, #tpu.memory_space<hbm>> -> memref<640x128xf32, #tpu.memory_space<hbm>>
      %dma_start3A_22 = arith.constant 0 : i32
      %dma_start3A_23 = tpu.memref_slice %arg9[%mul3A_17, %dma_start3A_22] : memref<10240x128xf32, #tpu.memory_space<vmem_shared>> -> memref<640x128xf32, #tpu.memory_space<vmem_shared>>
      tpu.enqueue_dma source(%dma_start3A_23 : memref<640x128xf32, #tpu.memory_space<vmem_shared>>) target(%dma_start3A_21 : memref<640x128xf32, #tpu.memory_space<hbm>>) target_semaphore(%run_scoped3A : memref<!tpu.dma_semaphore, #tpu.memory_space<semaphore_mem>>)
      %dma_wait3A = arith.constant 0 : i32
      %dma_wait3A_24 = tpu.memref_slice %arg5[%arg0, %mul3A_19, %dma_wait3A] : memref<2x10240x128xf32, #tpu.memory_space<hbm>> -> memref<1x640x128xf32, #tpu.memory_space<hbm>>
      %dma_wait3A_25 = tpu.memref_squeeze %dma_wait3A_24 : memref<1x640x128xf32, #tpu.memory_space<hbm>> -> memref<640x128xf32, #tpu.memory_space<hbm>>
      %dma_wait3A_26 = arith.constant 0 : i32
      %dma_wait3A_27 = tpu.memref_slice %arg9[%mul3A_17, %dma_wait3A_26] : memref<10240x128xf32, #tpu.memory_space<vmem_shared>> -> memref<640x128xf32, #tpu.memory_space<vmem_shared>>
      tpu.wait_dma2 semaphore(%run_scoped3A : memref<!tpu.dma_semaphore, #tpu.memory_space<semaphore_mem>>) src(%dma_wait3A_27 : memref<640x128xf32, #tpu.memory_space<vmem_shared>>) dst(%dma_wait3A_25 : memref<640x128xf32, #tpu.memory_space<hbm>>)
      tpu.yield
    }) : () -> ()
    return
  }
}

#map = affine_map<(d0, d1) -> (0, 0, 0)>
module attributes {stable_mosaic.version = 14 : i64} {
  func.func @hist(%arg0: i32, %arg1: i32, %arg2: memref<32x125x80xi32, #tpu.memory_space<hbm>>, %arg3: memref<32x125x80xi32, #tpu.memory_space<hbm>>, %arg4: memref<2x2x10240xf32, #tpu.memory_space<hbm>>, %arg5: memref<125x80xi32, #tpu.memory_space<vmem>>, %arg6: memref<125x80xi32, #tpu.memory_space<vmem>>, %arg7: memref<80xf32, #tpu.memory_space<vmem>>, %arg8: memref<640xf32, #tpu.memory_space<vmem>>, %arg9: memref<10240xf32, #tpu.memory_space<vmem_shared>>, %arg10: memref<10240xf32, #tpu.memory_space<vmem_shared>>, %arg11: memref<!tpu.dma_semaphore, #tpu.memory_space<semaphore_mem>>, %arg12: memref<!tpu.dma_semaphore, #tpu.memory_space<semaphore_mem>>) attributes {dimension_semantics = [#tpu.dimension_semantics<core_parallel>, #tpu.dimension_semantics<subcore_parallel>], iteration_bounds = array<i64: 2, 16>, scalar_prefetch = 0 : i64, scratch_operands = 8 : i64, tpu.core_type = #tpu.core_type<sc_vector_subcore>, window_params = [{transform_indices = #map}, {transform_indices = #map}, {transform_indices = #map}]} {
    %mul3A = arith.constant 16 : i32
    %mul3A_0 = arith.muli %arg0, %mul3A : i32
    %add3A = arith.addi %mul3A_0, %arg1 : i32
    "tpu.region"() ({
      %run_scoped3A_76 = tpu.sem_alloc : memref<!tpu.dma_semaphore, #tpu.memory_space<semaphore_mem>>
      %dma_start3A = arith.constant 0 : i32
      %dma_start3A_77 = arith.constant 0 : i32
      %dma_start3A_78 = tpu.memref_slice %arg2[%add3A, %dma_start3A, %dma_start3A_77] : memref<32x125x80xi32, #tpu.memory_space<hbm>> -> memref<1x125x80xi32, #tpu.memory_space<hbm>>
      %dma_start3A_79 = tpu.memref_squeeze %dma_start3A_78 : memref<1x125x80xi32, #tpu.memory_space<hbm>> -> memref<125x80xi32, #tpu.memory_space<hbm>>
      %dma_start3A_80 = arith.constant 0 : i32
      %dma_start3A_81 = arith.constant 0 : i32
      %dma_start3A_82 = tpu.memref_slice %arg2[%add3A, %dma_start3A_80, %dma_start3A_81] : memref<32x125x80xi32, #tpu.memory_space<hbm>> -> memref<1x125x80xi32, #tpu.memory_space<hbm>>
      %dma_start3A_83 = tpu.memref_squeeze %dma_start3A_82 : memref<1x125x80xi32, #tpu.memory_space<hbm>> -> memref<125x80xi32, #tpu.memory_space<hbm>>
      tpu.enqueue_dma source(%dma_start3A_83 : memref<125x80xi32, #tpu.memory_space<hbm>>) target(%arg5 : memref<125x80xi32, #tpu.memory_space<vmem>>) target_semaphore(%run_scoped3A_76 : memref<!tpu.dma_semaphore, #tpu.memory_space<semaphore_mem>>)
      %dma_wait3A_84 = arith.constant 0 : i32
      %dma_wait3A_85 = arith.constant 0 : i32
      %dma_wait3A_86 = tpu.memref_slice %arg2[%add3A, %dma_wait3A_84, %dma_wait3A_85] : memref<32x125x80xi32, #tpu.memory_space<hbm>> -> memref<1x125x80xi32, #tpu.memory_space<hbm>>
      %dma_wait3A_87 = tpu.memref_squeeze %dma_wait3A_86 : memref<1x125x80xi32, #tpu.memory_space<hbm>> -> memref<125x80xi32, #tpu.memory_space<hbm>>
      %dma_wait3A_88 = arith.constant 0 : i32
      %dma_wait3A_89 = arith.constant 0 : i32
      %dma_wait3A_90 = tpu.memref_slice %arg2[%add3A, %dma_wait3A_88, %dma_wait3A_89] : memref<32x125x80xi32, #tpu.memory_space<hbm>> -> memref<1x125x80xi32, #tpu.memory_space<hbm>>
      %dma_wait3A_91 = tpu.memref_squeeze %dma_wait3A_90 : memref<1x125x80xi32, #tpu.memory_space<hbm>> -> memref<125x80xi32, #tpu.memory_space<hbm>>
      tpu.wait_dma2 semaphore(%run_scoped3A_76 : memref<!tpu.dma_semaphore, #tpu.memory_space<semaphore_mem>>) src(%dma_wait3A_91 : memref<125x80xi32, #tpu.memory_space<hbm>>) dst(%arg5 : memref<125x80xi32, #tpu.memory_space<vmem>>)
      tpu.yield
    }) : () -> ()
    "tpu.region"() ({
      %run_scoped3A_76 = tpu.sem_alloc : memref<!tpu.dma_semaphore, #tpu.memory_space<semaphore_mem>>
      %dma_start3A = arith.constant 0 : i32
      %dma_start3A_77 = arith.constant 0 : i32
      %dma_start3A_78 = tpu.memref_slice %arg3[%add3A, %dma_start3A, %dma_start3A_77] : memref<32x125x80xi32, #tpu.memory_space<hbm>> -> memref<1x125x80xi32, #tpu.memory_space<hbm>>
      %dma_start3A_79 = tpu.memref_squeeze %dma_start3A_78 : memref<1x125x80xi32, #tpu.memory_space<hbm>> -> memref<125x80xi32, #tpu.memory_space<hbm>>
      %dma_start3A_80 = arith.constant 0 : i32
      %dma_start3A_81 = arith.constant 0 : i32
      %dma_start3A_82 = tpu.memref_slice %arg3[%add3A, %dma_start3A_80, %dma_start3A_81] : memref<32x125x80xi32, #tpu.memory_space<hbm>> -> memref<1x125x80xi32, #tpu.memory_space<hbm>>
      %dma_start3A_83 = tpu.memref_squeeze %dma_start3A_82 : memref<1x125x80xi32, #tpu.memory_space<hbm>> -> memref<125x80xi32, #tpu.memory_space<hbm>>
      tpu.enqueue_dma source(%dma_start3A_83 : memref<125x80xi32, #tpu.memory_space<hbm>>) target(%arg6 : memref<125x80xi32, #tpu.memory_space<vmem>>) target_semaphore(%run_scoped3A_76 : memref<!tpu.dma_semaphore, #tpu.memory_space<semaphore_mem>>)
      %dma_wait3A_84 = arith.constant 0 : i32
      %dma_wait3A_85 = arith.constant 0 : i32
      %dma_wait3A_86 = tpu.memref_slice %arg3[%add3A, %dma_wait3A_84, %dma_wait3A_85] : memref<32x125x80xi32, #tpu.memory_space<hbm>> -> memref<1x125x80xi32, #tpu.memory_space<hbm>>
      %dma_wait3A_87 = tpu.memref_squeeze %dma_wait3A_86 : memref<1x125x80xi32, #tpu.memory_space<hbm>> -> memref<125x80xi32, #tpu.memory_space<hbm>>
      %dma_wait3A_88 = arith.constant 0 : i32
      %dma_wait3A_89 = arith.constant 0 : i32
      %dma_wait3A_90 = tpu.memref_slice %arg3[%add3A, %dma_wait3A_88, %dma_wait3A_89] : memref<32x125x80xi32, #tpu.memory_space<hbm>> -> memref<1x125x80xi32, #tpu.memory_space<hbm>>
      %dma_wait3A_91 = tpu.memref_squeeze %dma_wait3A_90 : memref<1x125x80xi32, #tpu.memory_space<hbm>> -> memref<125x80xi32, #tpu.memory_space<hbm>>
      tpu.wait_dma2 semaphore(%run_scoped3A_76 : memref<!tpu.dma_semaphore, #tpu.memory_space<semaphore_mem>>) src(%dma_wait3A_91 : memref<125x80xi32, #tpu.memory_space<hbm>>) dst(%arg6 : memref<125x80xi32, #tpu.memory_space<vmem>>)
      tpu.yield
    }) : () -> ()
    %scan3A = arith.constant 0 : i32
    %scan3A_1 = arith.constant 5 : i32
    %scan3A_2 = arith.addi %scan3A, %scan3A_1 : i32
    %scan3A_3 = arith.constant 1 : i32
    scf.for %scan3A_76 = %scan3A to %scan3A_2 step %scan3A_3  : i32 {
      %mul3A_77 = arith.constant 16 : i32
      %mul3A_78 = arith.muli %scan3A_76, %mul3A_77 : i32
      %add3A_79 = arith.constant 0 : i32
      %add3A_80 = arith.addi %add3A_79, %mul3A_78 : i32
      %broadcast_in_dim3A = arith.constant 1.000000e+00 : f32
      %broadcast_in_dim3A_81 = vector.broadcast %broadcast_in_dim3A : f32 to vector<16xf32>
      %swap3A = arith.index_cast %add3A_80 : i32 to index
      %swap3A_82 = tpu.vector_load %arg7[%swap3A] {strides = array<i32>} : memref<80xf32, #tpu.memory_space<vmem>>, vector<16xf32>,
      %swap3A_83 = vector.shape_cast %swap3A_82 : vector<16xf32> to vector<16xf32>
      %swap3A_84 = vector.shape_cast %broadcast_in_dim3A_81 : vector<16xf32> to vector<16xf32>
      tpu.vector_store %arg7[%swap3A], %swap3A_84 {strides = array<i32>} : memref<80xf32, #tpu.memory_space<vmem>>, vector<16xf32>,
    }
    %scan3A_4 = arith.constant 5 : i32
    %scan3A_5 = arith.constant 0 : i32
    %scan3A_6 = arith.constant 40 : i32
    %scan3A_7 = arith.addi %scan3A_5, %scan3A_6 : i32
    %scan3A_8 = arith.constant 1 : i32
    scf.for %scan3A_76 = %scan3A_5 to %scan3A_7 step %scan3A_8  : i32 {
      %mul3A_77 = arith.constant 16 : i32
      %mul3A_78 = arith.muli %scan3A_76, %mul3A_77 : i32
      %add3A_79 = arith.constant 0 : i32
      %add3A_80 = arith.addi %add3A_79, %mul3A_78 : i32
      %broadcast_in_dim3A = arith.constant 0.000000e+00 : f32
      %broadcast_in_dim3A_81 = vector.broadcast %broadcast_in_dim3A : f32 to vector<16xf32>
      %swap3A = arith.index_cast %add3A_80 : i32 to index
      %swap3A_82 = tpu.vector_load %arg8[%swap3A] {strides = array<i32>} : memref<640xf32, #tpu.memory_space<vmem>>, vector<16xf32>,
      %swap3A_83 = vector.shape_cast %swap3A_82 : vector<16xf32> to vector<16xf32>
      %swap3A_84 = vector.shape_cast %broadcast_in_dim3A_81 : vector<16xf32> to vector<16xf32>
      tpu.vector_store %arg8[%swap3A], %swap3A_84 {strides = array<i32>} : memref<640xf32, #tpu.memory_space<vmem>>, vector<16xf32>,
    }
    %scan3A_9 = arith.constant 40 : i32
    %mul3A_10 = arith.constant 640 : i32
    %mul3A_11 = arith.muli %arg1, %mul3A_10 : i32
    "tpu.region"() ({
      %run_scoped3A_76 = tpu.sem_alloc : memref<!tpu.dma_semaphore, #tpu.memory_space<semaphore_mem>>
      %dma_start3A = tpu.memref_slice %arg9[%mul3A_11] : memref<10240xf32, #tpu.memory_space<vmem_shared>> -> memref<640xf32, #tpu.memory_space<vmem_shared>>
      %dma_start3A_77 = tpu.memref_slice %arg9[%mul3A_11] : memref<10240xf32, #tpu.memory_space<vmem_shared>> -> memref<640xf32, #tpu.memory_space<vmem_shared>>
      tpu.enqueue_dma source(%arg8 : memref<640xf32, #tpu.memory_space<vmem>>) target(%dma_start3A_77 : memref<640xf32, #tpu.memory_space<vmem_shared>>) target_semaphore(%run_scoped3A_76 : memref<!tpu.dma_semaphore, #tpu.memory_space<semaphore_mem>>)
      %dma_wait3A_78 = tpu.memref_slice %arg9[%mul3A_11] : memref<10240xf32, #tpu.memory_space<vmem_shared>> -> memref<640xf32, #tpu.memory_space<vmem_shared>>
      %dma_wait3A_79 = tpu.memref_slice %arg9[%mul3A_11] : memref<10240xf32, #tpu.memory_space<vmem_shared>> -> memref<640xf32, #tpu.memory_space<vmem_shared>>
      tpu.wait_dma2 semaphore(%run_scoped3A_76 : memref<!tpu.dma_semaphore, #tpu.memory_space<semaphore_mem>>) src(%arg8 : memref<640xf32, #tpu.memory_space<vmem>>) dst(%dma_wait3A_79 : memref<640xf32, #tpu.memory_space<vmem_shared>>)
      tpu.yield
    }) : () -> ()
    %mul3A_12 = arith.constant 640 : i32
    %mul3A_13 = arith.muli %arg1, %mul3A_12 : i32
    "tpu.region"() ({
      %run_scoped3A_76 = tpu.sem_alloc : memref<!tpu.dma_semaphore, #tpu.memory_space<semaphore_mem>>
      %dma_start3A = tpu.memref_slice %arg10[%mul3A_13] : memref<10240xf32, #tpu.memory_space<vmem_shared>> -> memref<640xf32, #tpu.memory_space<vmem_shared>>
      %dma_start3A_77 = tpu.memref_slice %arg10[%mul3A_13] : memref<10240xf32, #tpu.memory_space<vmem_shared>> -> memref<640xf32, #tpu.memory_space<vmem_shared>>
      tpu.enqueue_dma source(%arg8 : memref<640xf32, #tpu.memory_space<vmem>>) target(%dma_start3A_77 : memref<640xf32, #tpu.memory_space<vmem_shared>>) target_semaphore(%run_scoped3A_76 : memref<!tpu.dma_semaphore, #tpu.memory_space<semaphore_mem>>)
      %dma_wait3A_78 = tpu.memref_slice %arg10[%mul3A_13] : memref<10240xf32, #tpu.memory_space<vmem_shared>> -> memref<640xf32, #tpu.memory_space<vmem_shared>>
      %dma_wait3A_79 = tpu.memref_slice %arg10[%mul3A_13] : memref<10240xf32, #tpu.memory_space<vmem_shared>> -> memref<640xf32, #tpu.memory_space<vmem_shared>>
      tpu.wait_dma2 semaphore(%run_scoped3A_76 : memref<!tpu.dma_semaphore, #tpu.memory_space<semaphore_mem>>) src(%arg8 : memref<640xf32, #tpu.memory_space<vmem>>) dst(%dma_wait3A_79 : memref<640xf32, #tpu.memory_space<vmem_shared>>)
      tpu.yield
    }) : () -> ()
    %barrier3A = arith.constant 0 : index
    tpu.barrier barrier_id(%barrier3A)
    %scan3A_14 = arith.constant 0 : i32
    %scan3A_15 = arith.constant 125 : i32
    %scan3A_16 = arith.addi %scan3A_14, %scan3A_15 : i32
    %scan3A_17 = arith.constant 1 : i32
    scf.for %scan3A_76 = %scan3A_14 to %scan3A_16 step %scan3A_17  : i32 {
      %mul3A_77 = arith.constant 1 : i32
      %mul3A_78 = arith.muli %scan3A_76, %mul3A_77 : i32
      %add3A_79 = arith.constant 0 : i32
      %add3A_80 = arith.addi %add3A_79, %mul3A_78 : i32
      %ge3A = arith.constant 4 : i32
      %ge3A_81 = arith.cmpi sge, %add3A_80, %ge3A : i32
      %convert_element_type3A = arith.extui %ge3A_81 : i1 to i32
      %cond3A = arith.constant 0 : i32
      %cond3A_82 = arith.cmpi ne, %convert_element_type3A, %cond3A : i32
      scf.if %cond3A_82 {
        %dma_wait3A_92 = arith.constant 0 : i32
        %dma_wait3A_93 = arith.constant 0 : i32
        %dma_wait3A_94 = tpu.memref_slice %arg5[%dma_wait3A_92, %dma_wait3A_93] : memref<125x80xi32, #tpu.memory_space<vmem>> -> memref<1x80xi32, #tpu.memory_space<vmem>>
        %dma_wait3A_95 = tpu.memref_squeeze %dma_wait3A_94 : memref<1x80xi32, #tpu.memory_space<vmem>> -> memref<80xi32, #tpu.memory_space<vmem>>
        %dma_wait3A_96 = arith.constant 0 : i32
        %dma_wait3A_97 = tpu.memref_slice %arg9[%dma_wait3A_96] : memref<10240xf32, #tpu.memory_space<vmem_shared>> -> memref<10240xf32, #tpu.memory_space<vmem_shared>>
        tpu.wait_indirect_dma semaphore(%arg11 : memref<!tpu.dma_semaphore, #tpu.memory_space<semaphore_mem>>) src(%arg7 : memref<80xf32, #tpu.memory_space<vmem>>) dst(%dma_wait3A_97 : memref<10240xf32, #tpu.memory_space<vmem_shared>>)
        %dma_wait3A_98 = arith.constant 0 : i32
        %dma_wait3A_99 = arith.constant 0 : i32
        %dma_wait3A_100 = tpu.memref_slice %arg6[%dma_wait3A_98, %dma_wait3A_99] : memref<125x80xi32, #tpu.memory_space<vmem>> -> memref<1x80xi32, #tpu.memory_space<vmem>>
        %dma_wait3A_101 = tpu.memref_squeeze %dma_wait3A_100 : memref<1x80xi32, #tpu.memory_space<vmem>> -> memref<80xi32, #tpu.memory_space<vmem>>
        %dma_wait3A_102 = arith.constant 0 : i32
        %dma_wait3A_103 = tpu.memref_slice %arg10[%dma_wait3A_102] : memref<10240xf32, #tpu.memory_space<vmem_shared>> -> memref<10240xf32, #tpu.memory_space<vmem_shared>>
        tpu.wait_indirect_dma semaphore(%arg12 : memref<!tpu.dma_semaphore, #tpu.memory_space<semaphore_mem>>) src(%arg7 : memref<80xf32, #tpu.memory_space<vmem>>) dst(%dma_wait3A_103 : memref<10240xf32, #tpu.memory_space<vmem_shared>>)
      } else {
      }
      %dma_start3A = arith.constant 0 : i32
      %dma_start3A_83 = tpu.memref_slice %arg5[%add3A_80, %dma_start3A] : memref<125x80xi32, #tpu.memory_space<vmem>> -> memref<1x80xi32, #tpu.memory_space<vmem>>
      %dma_start3A_84 = tpu.memref_squeeze %dma_start3A_83 : memref<1x80xi32, #tpu.memory_space<vmem>> -> memref<80xi32, #tpu.memory_space<vmem>>
      %dma_start3A_85 = arith.constant 0 : i32
      %dma_start3A_86 = tpu.memref_slice %arg9[%dma_start3A_85] : memref<10240xf32, #tpu.memory_space<vmem_shared>> -> memref<10240xf32, #tpu.memory_space<vmem_shared>>
      tpu.enqueue_indirect_dma source(%arg7 : memref<80xf32, #tpu.memory_space<vmem>>) target(%dma_start3A_86 : memref<10240xf32, #tpu.memory_space<vmem_shared>>) offsets(%dma_start3A_84 : memref<80xi32, #tpu.memory_space<vmem>>) semaphore(%arg11 : memref<!tpu.dma_semaphore, #tpu.memory_space<semaphore_mem>>) {add = true}
      %dma_start3A_87 = arith.constant 0 : i32
      %dma_start3A_88 = tpu.memref_slice %arg6[%add3A_80, %dma_start3A_87] : memref<125x80xi32, #tpu.memory_space<vmem>> -> memref<1x80xi32, #tpu.memory_space<vmem>>
      %dma_start3A_89 = tpu.memref_squeeze %dma_start3A_88 : memref<1x80xi32, #tpu.memory_space<vmem>> -> memref<80xi32, #tpu.memory_space<vmem>>
      %dma_start3A_90 = arith.constant 0 : i32
      %dma_start3A_91 = tpu.memref_slice %arg10[%dma_start3A_90] : memref<10240xf32, #tpu.memory_space<vmem_shared>> -> memref<10240xf32, #tpu.memory_space<vmem_shared>>
      tpu.enqueue_indirect_dma source(%arg7 : memref<80xf32, #tpu.memory_space<vmem>>) target(%dma_start3A_91 : memref<10240xf32, #tpu.memory_space<vmem_shared>>) offsets(%dma_start3A_89 : memref<80xi32, #tpu.memory_space<vmem>>) semaphore(%arg12 : memref<!tpu.dma_semaphore, #tpu.memory_space<semaphore_mem>>) {add = true}
    }
    %scan3A_18 = arith.constant 125 : i32
    %dma_wait3A = arith.constant 0 : i32
    %dma_wait3A_19 = arith.constant 0 : i32
    %dma_wait3A_20 = tpu.memref_slice %arg5[%dma_wait3A, %dma_wait3A_19] : memref<125x80xi32, #tpu.memory_space<vmem>> -> memref<1x80xi32, #tpu.memory_space<vmem>>
    %dma_wait3A_21 = tpu.memref_squeeze %dma_wait3A_20 : memref<1x80xi32, #tpu.memory_space<vmem>> -> memref<80xi32, #tpu.memory_space<vmem>>
    %dma_wait3A_22 = arith.constant 0 : i32
    %dma_wait3A_23 = tpu.memref_slice %arg9[%dma_wait3A_22] : memref<10240xf32, #tpu.memory_space<vmem_shared>> -> memref<10240xf32, #tpu.memory_space<vmem_shared>>
    tpu.wait_indirect_dma semaphore(%arg11 : memref<!tpu.dma_semaphore, #tpu.memory_space<semaphore_mem>>) src(%arg7 : memref<80xf32, #tpu.memory_space<vmem>>) dst(%dma_wait3A_23 : memref<10240xf32, #tpu.memory_space<vmem_shared>>)
    %dma_wait3A_24 = arith.constant 0 : i32
    %dma_wait3A_25 = arith.constant 0 : i32
    %dma_wait3A_26 = tpu.memref_slice %arg6[%dma_wait3A_24, %dma_wait3A_25] : memref<125x80xi32, #tpu.memory_space<vmem>> -> memref<1x80xi32, #tpu.memory_space<vmem>>
    %dma_wait3A_27 = tpu.memref_squeeze %dma_wait3A_26 : memref<1x80xi32, #tpu.memory_space<vmem>> -> memref<80xi32, #tpu.memory_space<vmem>>
    %dma_wait3A_28 = arith.constant 0 : i32
    %dma_wait3A_29 = tpu.memref_slice %arg10[%dma_wait3A_28] : memref<10240xf32, #tpu.memory_space<vmem_shared>> -> memref<10240xf32, #tpu.memory_space<vmem_shared>>
    tpu.wait_indirect_dma semaphore(%arg12 : memref<!tpu.dma_semaphore, #tpu.memory_space<semaphore_mem>>) src(%arg7 : memref<80xf32, #tpu.memory_space<vmem>>) dst(%dma_wait3A_29 : memref<10240xf32, #tpu.memory_space<vmem_shared>>)
    %dma_wait3A_30 = arith.constant 0 : i32
    %dma_wait3A_31 = arith.constant 0 : i32
    %dma_wait3A_32 = tpu.memref_slice %arg5[%dma_wait3A_30, %dma_wait3A_31] : memref<125x80xi32, #tpu.memory_space<vmem>> -> memref<1x80xi32, #tpu.memory_space<vmem>>
    %dma_wait3A_33 = tpu.memref_squeeze %dma_wait3A_32 : memref<1x80xi32, #tpu.memory_space<vmem>> -> memref<80xi32, #tpu.memory_space<vmem>>
    %dma_wait3A_34 = arith.constant 0 : i32
    %dma_wait3A_35 = tpu.memref_slice %arg9[%dma_wait3A_34] : memref<10240xf32, #tpu.memory_space<vmem_shared>> -> memref<10240xf32, #tpu.memory_space<vmem_shared>>
    tpu.wait_indirect_dma semaphore(%arg11 : memref<!tpu.dma_semaphore, #tpu.memory_space<semaphore_mem>>) src(%arg7 : memref<80xf32, #tpu.memory_space<vmem>>) dst(%dma_wait3A_35 : memref<10240xf32, #tpu.memory_space<vmem_shared>>)
    %dma_wait3A_36 = arith.constant 0 : i32
    %dma_wait3A_37 = arith.constant 0 : i32
    %dma_wait3A_38 = tpu.memref_slice %arg6[%dma_wait3A_36, %dma_wait3A_37] : memref<125x80xi32, #tpu.memory_space<vmem>> -> memref<1x80xi32, #tpu.memory_space<vmem>>
    %dma_wait3A_39 = tpu.memref_squeeze %dma_wait3A_38 : memref<1x80xi32, #tpu.memory_space<vmem>> -> memref<80xi32, #tpu.memory_space<vmem>>
    %dma_wait3A_40 = arith.constant 0 : i32
    %dma_wait3A_41 = tpu.memref_slice %arg10[%dma_wait3A_40] : memref<10240xf32, #tpu.memory_space<vmem_shared>> -> memref<10240xf32, #tpu.memory_space<vmem_shared>>
    tpu.wait_indirect_dma semaphore(%arg12 : memref<!tpu.dma_semaphore, #tpu.memory_space<semaphore_mem>>) src(%arg7 : memref<80xf32, #tpu.memory_space<vmem>>) dst(%dma_wait3A_41 : memref<10240xf32, #tpu.memory_space<vmem_shared>>)
    %dma_wait3A_42 = arith.constant 0 : i32
    %dma_wait3A_43 = arith.constant 0 : i32
    %dma_wait3A_44 = tpu.memref_slice %arg5[%dma_wait3A_42, %dma_wait3A_43] : memref<125x80xi32, #tpu.memory_space<vmem>> -> memref<1x80xi32, #tpu.memory_space<vmem>>
    %dma_wait3A_45 = tpu.memref_squeeze %dma_wait3A_44 : memref<1x80xi32, #tpu.memory_space<vmem>> -> memref<80xi32, #tpu.memory_space<vmem>>
    %dma_wait3A_46 = arith.constant 0 : i32
    %dma_wait3A_47 = tpu.memref_slice %arg9[%dma_wait3A_46] : memref<10240xf32, #tpu.memory_space<vmem_shared>> -> memref<10240xf32, #tpu.memory_space<vmem_shared>>
    tpu.wait_indirect_dma semaphore(%arg11 : memref<!tpu.dma_semaphore, #tpu.memory_space<semaphore_mem>>) src(%arg7 : memref<80xf32, #tpu.memory_space<vmem>>) dst(%dma_wait3A_47 : memref<10240xf32, #tpu.memory_space<vmem_shared>>)
    %dma_wait3A_48 = arith.constant 0 : i32
    %dma_wait3A_49 = arith.constant 0 : i32
    %dma_wait3A_50 = tpu.memref_slice %arg6[%dma_wait3A_48, %dma_wait3A_49] : memref<125x80xi32, #tpu.memory_space<vmem>> -> memref<1x80xi32, #tpu.memory_space<vmem>>
    %dma_wait3A_51 = tpu.memref_squeeze %dma_wait3A_50 : memref<1x80xi32, #tpu.memory_space<vmem>> -> memref<80xi32, #tpu.memory_space<vmem>>
    %dma_wait3A_52 = arith.constant 0 : i32
    %dma_wait3A_53 = tpu.memref_slice %arg10[%dma_wait3A_52] : memref<10240xf32, #tpu.memory_space<vmem_shared>> -> memref<10240xf32, #tpu.memory_space<vmem_shared>>
    tpu.wait_indirect_dma semaphore(%arg12 : memref<!tpu.dma_semaphore, #tpu.memory_space<semaphore_mem>>) src(%arg7 : memref<80xf32, #tpu.memory_space<vmem>>) dst(%dma_wait3A_53 : memref<10240xf32, #tpu.memory_space<vmem_shared>>)
    %dma_wait3A_54 = arith.constant 0 : i32
    %dma_wait3A_55 = arith.constant 0 : i32
    %dma_wait3A_56 = tpu.memref_slice %arg5[%dma_wait3A_54, %dma_wait3A_55] : memref<125x80xi32, #tpu.memory_space<vmem>> -> memref<1x80xi32, #tpu.memory_space<vmem>>
    %dma_wait3A_57 = tpu.memref_squeeze %dma_wait3A_56 : memref<1x80xi32, #tpu.memory_space<vmem>> -> memref<80xi32, #tpu.memory_space<vmem>>
    %dma_wait3A_58 = arith.constant 0 : i32
    %dma_wait3A_59 = tpu.memref_slice %arg9[%dma_wait3A_58] : memref<10240xf32, #tpu.memory_space<vmem_shared>> -> memref<10240xf32, #tpu.memory_space<vmem_shared>>
    tpu.wait_indirect_dma semaphore(%arg11 : memref<!tpu.dma_semaphore, #tpu.memory_space<semaphore_mem>>) src(%arg7 : memref<80xf32, #tpu.memory_space<vmem>>) dst(%dma_wait3A_59 : memref<10240xf32, #tpu.memory_space<vmem_shared>>)
    %dma_wait3A_60 = arith.constant 0 : i32
    %dma_wait3A_61 = arith.constant 0 : i32
    %dma_wait3A_62 = tpu.memref_slice %arg6[%dma_wait3A_60, %dma_wait3A_61] : memref<125x80xi32, #tpu.memory_space<vmem>> -> memref<1x80xi32, #tpu.memory_space<vmem>>
    %dma_wait3A_63 = tpu.memref_squeeze %dma_wait3A_62 : memref<1x80xi32, #tpu.memory_space<vmem>> -> memref<80xi32, #tpu.memory_space<vmem>>
    %dma_wait3A_64 = arith.constant 0 : i32
    %dma_wait3A_65 = tpu.memref_slice %arg10[%dma_wait3A_64] : memref<10240xf32, #tpu.memory_space<vmem_shared>> -> memref<10240xf32, #tpu.memory_space<vmem_shared>>
    tpu.wait_indirect_dma semaphore(%arg12 : memref<!tpu.dma_semaphore, #tpu.memory_space<semaphore_mem>>) src(%arg7 : memref<80xf32, #tpu.memory_space<vmem>>) dst(%dma_wait3A_65 : memref<10240xf32, #tpu.memory_space<vmem_shared>>)
    %barrier3A_66 = arith.constant 0 : index
    tpu.barrier barrier_id(%barrier3A_66)
    %mul3A_67 = arith.constant 640 : i32
    %mul3A_68 = arith.muli %arg1, %mul3A_67 : i32
    %mul3A_69 = arith.constant 640 : i32
    %mul3A_70 = arith.muli %arg1, %mul3A_69 : i32
    %run_scoped3A = arith.constant 0 : i32
    "tpu.region"() ({
      %run_scoped3A_76 = tpu.sem_alloc : memref<!tpu.dma_semaphore, #tpu.memory_space<semaphore_mem>>
      %dma_start3A = tpu.memref_slice %arg4[%arg0, %run_scoped3A, %mul3A_70] : memref<2x2x10240xf32, #tpu.memory_space<hbm>> -> memref<1x1x640xf32, #tpu.memory_space<hbm>>
      %dma_start3A_77 = tpu.memref_squeeze %dma_start3A : memref<1x1x640xf32, #tpu.memory_space<hbm>> -> memref<640xf32, #tpu.memory_space<hbm>>
      %dma_start3A_78 = tpu.memref_slice %arg9[%mul3A_68] : memref<10240xf32, #tpu.memory_space<vmem_shared>> -> memref<640xf32, #tpu.memory_space<vmem_shared>>
      tpu.enqueue_dma source(%dma_start3A_78 : memref<640xf32, #tpu.memory_space<vmem_shared>>) target(%dma_start3A_77 : memref<640xf32, #tpu.memory_space<hbm>>) target_semaphore(%run_scoped3A_76 : memref<!tpu.dma_semaphore, #tpu.memory_space<semaphore_mem>>)
      %dma_wait3A_79 = tpu.memref_slice %arg4[%arg0, %run_scoped3A, %mul3A_70] : memref<2x2x10240xf32, #tpu.memory_space<hbm>> -> memref<1x1x640xf32, #tpu.memory_space<hbm>>
      %dma_wait3A_80 = tpu.memref_squeeze %dma_wait3A_79 : memref<1x1x640xf32, #tpu.memory_space<hbm>> -> memref<640xf32, #tpu.memory_space<hbm>>
      %dma_wait3A_81 = tpu.memref_slice %arg9[%mul3A_68] : memref<10240xf32, #tpu.memory_space<vmem_shared>> -> memref<640xf32, #tpu.memory_space<vmem_shared>>
      tpu.wait_dma2 semaphore(%run_scoped3A_76 : memref<!tpu.dma_semaphore, #tpu.memory_space<semaphore_mem>>) src(%dma_wait3A_81 : memref<640xf32, #tpu.memory_space<vmem_shared>>) dst(%dma_wait3A_80 : memref<640xf32, #tpu.memory_space<hbm>>)
      tpu.yield
    }) : () -> ()
    %mul3A_71 = arith.constant 640 : i32
    %mul3A_72 = arith.muli %arg1, %mul3A_71 : i32
    %mul3A_73 = arith.constant 640 : i32
    %mul3A_74 = arith.muli %arg1, %mul3A_73 : i32
    %run_scoped3A_75 = arith.constant 1 : i32
    "tpu.region"() ({
      %run_scoped3A_76 = tpu.sem_alloc : memref<!tpu.dma_semaphore, #tpu.memory_space<semaphore_mem>>
      %dma_start3A = tpu.memref_slice %arg4[%arg0, %run_scoped3A_75, %mul3A_74] : memref<2x2x10240xf32, #tpu.memory_space<hbm>> -> memref<1x1x640xf32, #tpu.memory_space<hbm>>
      %dma_start3A_77 = tpu.memref_squeeze %dma_start3A : memref<1x1x640xf32, #tpu.memory_space<hbm>> -> memref<640xf32, #tpu.memory_space<hbm>>
      %dma_start3A_78 = tpu.memref_slice %arg10[%mul3A_72] : memref<10240xf32, #tpu.memory_space<vmem_shared>> -> memref<640xf32, #tpu.memory_space<vmem_shared>>
      tpu.enqueue_dma source(%dma_start3A_78 : memref<640xf32, #tpu.memory_space<vmem_shared>>) target(%dma_start3A_77 : memref<640xf32, #tpu.memory_space<hbm>>) target_semaphore(%run_scoped3A_76 : memref<!tpu.dma_semaphore, #tpu.memory_space<semaphore_mem>>)
      %dma_wait3A_79 = tpu.memref_slice %arg4[%arg0, %run_scoped3A_75, %mul3A_74] : memref<2x2x10240xf32, #tpu.memory_space<hbm>> -> memref<1x1x640xf32, #tpu.memory_space<hbm>>
      %dma_wait3A_80 = tpu.memref_squeeze %dma_wait3A_79 : memref<1x1x640xf32, #tpu.memory_space<hbm>> -> memref<640xf32, #tpu.memory_space<hbm>>
      %dma_wait3A_81 = tpu.memref_slice %arg10[%mul3A_72] : memref<10240xf32, #tpu.memory_space<vmem_shared>> -> memref<640xf32, #tpu.memory_space<vmem_shared>>
      tpu.wait_dma2 semaphore(%run_scoped3A_76 : memref<!tpu.dma_semaphore, #tpu.memory_space<semaphore_mem>>) src(%dma_wait3A_81 : memref<640xf32, #tpu.memory_space<vmem_shared>>) dst(%dma_wait3A_80 : memref<640xf32, #tpu.memory_space<hbm>>)
      tpu.yield
    }) : () -> ()
    return
  }
}

#map = affine_map<(d0, d1) -> (0, 0)>
#map1 = affine_map<(d0, d1) -> (0, 0, 0)>
module attributes {stable_mosaic.version = 14 : i64} {
  func.func @agg(%arg0: i32, %arg1: i32, %arg2: memref<10240x128xf32, #tpu.memory_space<hbm>>, %arg3: memref<32x125x80xi32, #tpu.memory_space<hbm>>, %arg4: memref<32x125x80xi32, #tpu.memory_space<hbm>>, %arg5: memref<2x10240x128xf32, #tpu.memory_space<hbm>>, %arg6: memref<125x80xi32, #tpu.memory_space<vmem>>, %arg7: memref<125x80xi32, #tpu.memory_space<vmem>>, %arg8: memref<80x128xf32, #tpu.memory_space<vmem>>, %arg9: memref<10240x128xf32, #tpu.memory_space<vmem_shared>>) attributes {dimension_semantics = [#tpu.dimension_semantics<core_parallel>, #tpu.dimension_semantics<subcore_parallel>], iteration_bounds = array<i64: 2, 16>, scalar_prefetch = 0 : i64, scratch_operands = 4 : i64, tpu.core_type = #tpu.core_type<sc_vector_subcore>, window_params = [{transform_indices = #map}, {transform_indices = #map1}, {transform_indices = #map1}, {transform_indices = #map1}]} {
    %mul3A = arith.constant 16 : i32
    %mul3A_0 = arith.muli %arg0, %mul3A : i32
    %add3A = arith.addi %mul3A_0, %arg1 : i32
    "tpu.region"() ({
      %run_scoped3A = tpu.sem_alloc : memref<!tpu.dma_semaphore, #tpu.memory_space<semaphore_mem>>
      %dma_start3A = arith.constant 0 : i32
      %dma_start3A_20 = arith.constant 0 : i32
      %dma_start3A_21 = tpu.memref_slice %arg3[%add3A, %dma_start3A, %dma_start3A_20] : memref<32x125x80xi32, #tpu.memory_space<hbm>> -> memref<1x125x80xi32, #tpu.memory_space<hbm>>
      %dma_start3A_22 = tpu.memref_squeeze %dma_start3A_21 : memref<1x125x80xi32, #tpu.memory_space<hbm>> -> memref<125x80xi32, #tpu.memory_space<hbm>>
      %dma_start3A_23 = arith.constant 0 : i32
      %dma_start3A_24 = arith.constant 0 : i32
      %dma_start3A_25 = tpu.memref_slice %arg3[%add3A, %dma_start3A_23, %dma_start3A_24] : memref<32x125x80xi32, #tpu.memory_space<hbm>> -> memref<1x125x80xi32, #tpu.memory_space<hbm>>
      %dma_start3A_26 = tpu.memref_squeeze %dma_start3A_25 : memref<1x125x80xi32, #tpu.memory_space<hbm>> -> memref<125x80xi32, #tpu.memory_space<hbm>>
      tpu.enqueue_dma source(%dma_start3A_26 : memref<125x80xi32, #tpu.memory_space<hbm>>) target(%arg6 : memref<125x80xi32, #tpu.memory_space<vmem>>) target_semaphore(%run_scoped3A : memref<!tpu.dma_semaphore, #tpu.memory_space<semaphore_mem>>)
      %dma_wait3A = arith.constant 0 : i32
      %dma_wait3A_27 = arith.constant 0 : i32
      %dma_wait3A_28 = tpu.memref_slice %arg3[%add3A, %dma_wait3A, %dma_wait3A_27] : memref<32x125x80xi32, #tpu.memory_space<hbm>> -> memref<1x125x80xi32, #tpu.memory_space<hbm>>
      %dma_wait3A_29 = tpu.memref_squeeze %dma_wait3A_28 : memref<1x125x80xi32, #tpu.memory_space<hbm>> -> memref<125x80xi32, #tpu.memory_space<hbm>>
      %dma_wait3A_30 = arith.constant 0 : i32
      %dma_wait3A_31 = arith.constant 0 : i32
      %dma_wait3A_32 = tpu.memref_slice %arg3[%add3A, %dma_wait3A_30, %dma_wait3A_31] : memref<32x125x80xi32, #tpu.memory_space<hbm>> -> memref<1x125x80xi32, #tpu.memory_space<hbm>>
      %dma_wait3A_33 = tpu.memref_squeeze %dma_wait3A_32 : memref<1x125x80xi32, #tpu.memory_space<hbm>> -> memref<125x80xi32, #tpu.memory_space<hbm>>
      tpu.wait_dma2 semaphore(%run_scoped3A : memref<!tpu.dma_semaphore, #tpu.memory_space<semaphore_mem>>) src(%dma_wait3A_33 : memref<125x80xi32, #tpu.memory_space<hbm>>) dst(%arg6 : memref<125x80xi32, #tpu.memory_space<vmem>>)
      tpu.yield
    }) : () -> ()
    "tpu.region"() ({
      %run_scoped3A = tpu.sem_alloc : memref<!tpu.dma_semaphore, #tpu.memory_space<semaphore_mem>>
      %dma_start3A = arith.constant 0 : i32
      %dma_start3A_20 = arith.constant 0 : i32
      %dma_start3A_21 = tpu.memref_slice %arg4[%add3A, %dma_start3A, %dma_start3A_20] : memref<32x125x80xi32, #tpu.memory_space<hbm>> -> memref<1x125x80xi32, #tpu.memory_space<hbm>>
      %dma_start3A_22 = tpu.memref_squeeze %dma_start3A_21 : memref<1x125x80xi32, #tpu.memory_space<hbm>> -> memref<125x80xi32, #tpu.memory_space<hbm>>
      %dma_start3A_23 = arith.constant 0 : i32
      %dma_start3A_24 = arith.constant 0 : i32
      %dma_start3A_25 = tpu.memref_slice %arg4[%add3A, %dma_start3A_23, %dma_start3A_24] : memref<32x125x80xi32, #tpu.memory_space<hbm>> -> memref<1x125x80xi32, #tpu.memory_space<hbm>>
      %dma_start3A_26 = tpu.memref_squeeze %dma_start3A_25 : memref<1x125x80xi32, #tpu.memory_space<hbm>> -> memref<125x80xi32, #tpu.memory_space<hbm>>
      tpu.enqueue_dma source(%dma_start3A_26 : memref<125x80xi32, #tpu.memory_space<hbm>>) target(%arg7 : memref<125x80xi32, #tpu.memory_space<vmem>>) target_semaphore(%run_scoped3A : memref<!tpu.dma_semaphore, #tpu.memory_space<semaphore_mem>>)
      %dma_wait3A = arith.constant 0 : i32
      %dma_wait3A_27 = arith.constant 0 : i32
      %dma_wait3A_28 = tpu.memref_slice %arg4[%add3A, %dma_wait3A, %dma_wait3A_27] : memref<32x125x80xi32, #tpu.memory_space<hbm>> -> memref<1x125x80xi32, #tpu.memory_space<hbm>>
      %dma_wait3A_29 = tpu.memref_squeeze %dma_wait3A_28 : memref<1x125x80xi32, #tpu.memory_space<hbm>> -> memref<125x80xi32, #tpu.memory_space<hbm>>
      %dma_wait3A_30 = arith.constant 0 : i32
      %dma_wait3A_31 = arith.constant 0 : i32
      %dma_wait3A_32 = tpu.memref_slice %arg4[%add3A, %dma_wait3A_30, %dma_wait3A_31] : memref<32x125x80xi32, #tpu.memory_space<hbm>> -> memref<1x125x80xi32, #tpu.memory_space<hbm>>
      %dma_wait3A_33 = tpu.memref_squeeze %dma_wait3A_32 : memref<1x125x80xi32, #tpu.memory_space<hbm>> -> memref<125x80xi32, #tpu.memory_space<hbm>>
      tpu.wait_dma2 semaphore(%run_scoped3A : memref<!tpu.dma_semaphore, #tpu.memory_space<semaphore_mem>>) src(%dma_wait3A_33 : memref<125x80xi32, #tpu.memory_space<hbm>>) dst(%arg7 : memref<125x80xi32, #tpu.memory_space<vmem>>)
      tpu.yield
    }) : () -> ()
    %scan3A = arith.constant 0 : i32
    %scan3A_1 = arith.constant 80 : i32
    %scan3A_2 = arith.addi %scan3A, %scan3A_1 : i32
    %scan3A_3 = arith.constant 1 : i32
    scf.for %scan3A_20 = %scan3A to %scan3A_2 step %scan3A_3  : i32 {
      %mul3A_21 = arith.constant 1 : i32
      %mul3A_22 = arith.muli %scan3A_20, %mul3A_21 : i32
      %add3A_23 = arith.constant 0 : i32
      %add3A_24 = arith.addi %add3A_23, %mul3A_22 : i32
      %scan3A_25 = arith.constant 0 : i32
      %scan3A_26 = arith.constant 8 : i32
      %scan3A_27 = arith.addi %scan3A_25, %scan3A_26 : i32
      %scan3A_28 = arith.constant 1 : i32
      scf.for %scan3A_30 = %scan3A_25 to %scan3A_27 step %scan3A_28  : i32 {
        %mul3A_31 = arith.constant 16 : i32
        %mul3A_32 = arith.muli %scan3A_30, %mul3A_31 : i32
        %add3A_33 = arith.constant 0 : i32
        %add3A_34 = arith.addi %add3A_33, %mul3A_32 : i32
        %broadcast_in_dim3A = arith.constant 0.000000e+00 : f32
        %broadcast_in_dim3A_35 = vector.broadcast %broadcast_in_dim3A : f32 to vector<1x16xf32>
        %swap3A = arith.index_cast %add3A_24 : i32 to index
        %swap3A_36 = arith.index_cast %add3A_34 : i32 to index
        %swap3A_37 = tpu.vector_load %arg8[%swap3A, %swap3A_36] {strides = array<i32>} : memref<80x128xf32, #tpu.memory_space<vmem>>, vector<1x16xf32>,
        %swap3A_38 = vector.shape_cast %swap3A_37 : vector<1x16xf32> to vector<1x16xf32>
        %swap3A_39 = vector.shape_cast %broadcast_in_dim3A_35 : vector<1x16xf32> to vector<1x16xf32>
        tpu.vector_store %arg8[%swap3A, %swap3A_36], %swap3A_39 {strides = array<i32>} : memref<80x128xf32, #tpu.memory_space<vmem>>, vector<1x16xf32>,
      }
      %scan3A_29 = arith.constant 8 : i32
    }
    %scan3A_4 = arith.constant 80 : i32
    %scan3A_5 = arith.constant 0 : i32
    %scan3A_6 = arith.constant 8 : i32
    %scan3A_7 = arith.addi %scan3A_5, %scan3A_6 : i32
    %scan3A_8 = arith.constant 1 : i32
    scf.for %scan3A_20 = %scan3A_5 to %scan3A_7 step %scan3A_8  : i32 {
      %mul3A_21 = arith.constant 80 : i32
      %mul3A_22 = arith.muli %scan3A_20, %mul3A_21 : i32
      %add3A_23 = arith.constant 0 : i32
      %add3A_24 = arith.addi %add3A_23, %mul3A_22 : i32
      %mul3A_25 = arith.constant 640 : i32
      %mul3A_26 = arith.muli %arg1, %mul3A_25 : i32
      %add3A_27 = arith.addi %mul3A_26, %add3A_24 : i32
      "tpu.region"() ({
        %run_scoped3A = tpu.sem_alloc : memref<!tpu.dma_semaphore, #tpu.memory_space<semaphore_mem>>
        %dma_start3A = arith.constant 0 : i32
        %dma_start3A_28 = tpu.memref_slice %arg9[%add3A_27, %dma_start3A] : memref<10240x128xf32, #tpu.memory_space<vmem_shared>> -> memref<80x128xf32, #tpu.memory_space<vmem_shared>>
        %dma_start3A_29 = arith.constant 0 : i32
        %dma_start3A_30 = tpu.memref_slice %arg9[%add3A_27, %dma_start3A_29] : memref<10240x128xf32, #tpu.memory_space<vmem_shared>> -> memref<80x128xf32, #tpu.memory_space<vmem_shared>>
        tpu.enqueue_dma source(%arg8 : memref<80x128xf32, #tpu.memory_space<vmem>>) target(%dma_start3A_30 : memref<80x128xf32, #tpu.memory_space<vmem_shared>>) target_semaphore(%run_scoped3A : memref<!tpu.dma_semaphore, #tpu.memory_space<semaphore_mem>>)
        %dma_wait3A = arith.constant 0 : i32
        %dma_wait3A_31 = tpu.memref_slice %arg9[%add3A_27, %dma_wait3A] : memref<10240x128xf32, #tpu.memory_space<vmem_shared>> -> memref<80x128xf32, #tpu.memory_space<vmem_shared>>
        %dma_wait3A_32 = arith.constant 0 : i32
        %dma_wait3A_33 = tpu.memref_slice %arg9[%add3A_27, %dma_wait3A_32] : memref<10240x128xf32, #tpu.memory_space<vmem_shared>> -> memref<80x128xf32, #tpu.memory_space<vmem_shared>>
        tpu.wait_dma2 semaphore(%run_scoped3A : memref<!tpu.dma_semaphore, #tpu.memory_space<semaphore_mem>>) src(%arg8 : memref<80x128xf32, #tpu.memory_space<vmem>>) dst(%dma_wait3A_33 : memref<80x128xf32, #tpu.memory_space<vmem_shared>>)
        tpu.yield
      }) : () -> ()
    }
    %scan3A_9 = arith.constant 8 : i32
    %barrier3A = arith.constant 0 : index
    tpu.barrier barrier_id(%barrier3A)
    %scan3A_10 = arith.constant 0 : i32
    %scan3A_11 = arith.constant 125 : i32
    %scan3A_12 = arith.addi %scan3A_10, %scan3A_11 : i32
    %scan3A_13 = arith.constant 1 : i32
    scf.for %scan3A_20 = %scan3A_10 to %scan3A_12 step %scan3A_13  : i32 {
      %mul3A_21 = arith.constant 1 : i32
      %mul3A_22 = arith.muli %scan3A_20, %mul3A_21 : i32
      %add3A_23 = arith.constant 0 : i32
      %add3A_24 = arith.addi %add3A_23, %mul3A_22 : i32
      "tpu.region"() ({
        %run_scoped3A = tpu.sem_alloc : memref<!tpu.dma_semaphore, #tpu.memory_space<semaphore_mem>>
        %dma_start3A = arith.constant 0 : i32
        %dma_start3A_25 = tpu.memref_slice %arg6[%add3A_24, %dma_start3A] : memref<125x80xi32, #tpu.memory_space<vmem>> -> memref<1x80xi32, #tpu.memory_space<vmem>>
        %dma_start3A_26 = tpu.memref_squeeze %dma_start3A_25 : memref<1x80xi32, #tpu.memory_space<vmem>> -> memref<80xi32, #tpu.memory_space<vmem>>
        %dma_start3A_27 = arith.constant 0 : i32
        %dma_start3A_28 = arith.constant 0 : i32
        %dma_start3A_29 = tpu.memref_slice %arg2[%dma_start3A_27, %dma_start3A_28] : memref<10240x128xf32, #tpu.memory_space<hbm>> -> memref<10240x128xf32, #tpu.memory_space<hbm>>
        tpu.enqueue_indirect_dma source(%dma_start3A_29 : memref<10240x128xf32, #tpu.memory_space<hbm>>) target(%arg8 : memref<80x128xf32, #tpu.memory_space<vmem>>) offsets(%dma_start3A_26 : memref<80xi32, #tpu.memory_space<vmem>>) semaphore(%run_scoped3A : memref<!tpu.dma_semaphore, #tpu.memory_space<semaphore_mem>>)
        %dma_wait3A = arith.constant 0 : i32
        %dma_wait3A_30 = tpu.memref_slice %arg6[%add3A_24, %dma_wait3A] : memref<125x80xi32, #tpu.memory_space<vmem>> -> memref<1x80xi32, #tpu.memory_space<vmem>>
        %dma_wait3A_31 = tpu.memref_squeeze %dma_wait3A_30 : memref<1x80xi32, #tpu.memory_space<vmem>> -> memref<80xi32, #tpu.memory_space<vmem>>
        %dma_wait3A_32 = arith.constant 0 : i32
        %dma_wait3A_33 = arith.constant 0 : i32
        %dma_wait3A_34 = tpu.memref_slice %arg2[%dma_wait3A_32, %dma_wait3A_33] : memref<10240x128xf32, #tpu.memory_space<hbm>> -> memref<10240x128xf32, #tpu.memory_space<hbm>>
        tpu.wait_indirect_dma semaphore(%run_scoped3A : memref<!tpu.dma_semaphore, #tpu.memory_space<semaphore_mem>>) src(%dma_wait3A_34 : memref<10240x128xf32, #tpu.memory_space<hbm>>) dst(%arg8 : memref<80x128xf32, #tpu.memory_space<vmem>>)
        tpu.yield
      }) : () -> ()
      "tpu.region"() ({
        %run_scoped3A = tpu.sem_alloc : memref<!tpu.dma_semaphore, #tpu.memory_space<semaphore_mem>>
        %dma_start3A = arith.constant 0 : i32
        %dma_start3A_25 = tpu.memref_slice %arg7[%add3A_24, %dma_start3A] : memref<125x80xi32, #tpu.memory_space<vmem>> -> memref<1x80xi32, #tpu.memory_space<vmem>>
        %dma_start3A_26 = tpu.memref_squeeze %dma_start3A_25 : memref<1x80xi32, #tpu.memory_space<vmem>> -> memref<80xi32, #tpu.memory_space<vmem>>
        %dma_start3A_27 = arith.constant 0 : i32
        %dma_start3A_28 = arith.constant 0 : i32
        %dma_start3A_29 = tpu.memref_slice %arg9[%dma_start3A_27, %dma_start3A_28] : memref<10240x128xf32, #tpu.memory_space<vmem_shared>> -> memref<10240x128xf32, #tpu.memory_space<vmem_shared>>
        tpu.enqueue_indirect_dma source(%arg8 : memref<80x128xf32, #tpu.memory_space<vmem>>) target(%dma_start3A_29 : memref<10240x128xf32, #tpu.memory_space<vmem_shared>>) offsets(%dma_start3A_26 : memref<80xi32, #tpu.memory_space<vmem>>) semaphore(%run_scoped3A : memref<!tpu.dma_semaphore, #tpu.memory_space<semaphore_mem>>) {add = true}
        %dma_wait3A = arith.constant 0 : i32
        %dma_wait3A_30 = tpu.memref_slice %arg7[%add3A_24, %dma_wait3A] : memref<125x80xi32, #tpu.memory_space<vmem>> -> memref<1x80xi32, #tpu.memory_space<vmem>>
        %dma_wait3A_31 = tpu.memref_squeeze %dma_wait3A_30 : memref<1x80xi32, #tpu.memory_space<vmem>> -> memref<80xi32, #tpu.memory_space<vmem>>
        %dma_wait3A_32 = arith.constant 0 : i32
        %dma_wait3A_33 = arith.constant 0 : i32
        %dma_wait3A_34 = tpu.memref_slice %arg9[%dma_wait3A_32, %dma_wait3A_33] : memref<10240x128xf32, #tpu.memory_space<vmem_shared>> -> memref<10240x128xf32, #tpu.memory_space<vmem_shared>>
        tpu.wait_indirect_dma semaphore(%run_scoped3A : memref<!tpu.dma_semaphore, #tpu.memory_space<semaphore_mem>>) src(%arg8 : memref<80x128xf32, #tpu.memory_space<vmem>>) dst(%dma_wait3A_34 : memref<10240x128xf32, #tpu.memory_space<vmem_shared>>)
        tpu.yield
      }) : () -> ()
    }
    %scan3A_14 = arith.constant 125 : i32
    %barrier3A_15 = arith.constant 0 : index
    tpu.barrier barrier_id(%barrier3A_15)
    %mul3A_16 = arith.constant 640 : i32
    %mul3A_17 = arith.muli %arg1, %mul3A_16 : i32
    %mul3A_18 = arith.constant 640 : i32
    %mul3A_19 = arith.muli %arg1, %mul3A_18 : i32
    "tpu.region"() ({
      %run_scoped3A = tpu.sem_alloc : memref<!tpu.dma_semaphore, #tpu.memory_space<semaphore_mem>>
      %dma_start3A = arith.constant 0 : i32
      %dma_start3A_20 = tpu.memref_slice %arg5[%arg0, %mul3A_19, %dma_start3A] : memref<2x10240x128xf32, #tpu.memory_space<hbm>> -> memref<1x640x128xf32, #tpu.memory_space<hbm>>
      %dma_start3A_21 = tpu.memref_squeeze %dma_start3A_20 : memref<1x640x128xf32, #tpu.memory_space<hbm>> -> memref<640x128xf32, #tpu.memory_space<hbm>>
      %dma_start3A_22 = arith.constant 0 : i32
      %dma_start3A_23 = tpu.memref_slice %arg9[%mul3A_17, %dma_start3A_22] : memref<10240x128xf32, #tpu.memory_space<vmem_shared>> -> memref<640x128xf32, #tpu.memory_space<vmem_shared>>
      tpu.enqueue_dma source(%dma_start3A_23 : memref<640x128xf32, #tpu.memory_space<vmem_shared>>) target(%dma_start3A_21 : memref<640x128xf32, #tpu.memory_space<hbm>>) target_semaphore(%run_scoped3A : memref<!tpu.dma_semaphore, #tpu.memory_space<semaphore_mem>>)
      %dma_wait3A = arith.constant 0 : i32
      %dma_wait3A_24 = tpu.memref_slice %arg5[%arg0, %mul3A_19, %dma_wait3A] : memref<2x10240x128xf32, #tpu.memory_space<hbm>> -> memref<1x640x128xf32, #tpu.memory_space<hbm>>
      %dma_wait3A_25 = tpu.memref_squeeze %dma_wait3A_24 : memref<1x640x128xf32, #tpu.memory_space<hbm>> -> memref<640x128xf32, #tpu.memory_space<hbm>>
      %dma_wait3A_26 = arith.constant 0 : i32
      %dma_wait3A_27 = tpu.memref_slice %arg9[%mul3A_17, %dma_wait3A_26] : memref<10240x128xf32, #tpu.memory_space<vmem_shared>> -> memref<640x128xf32, #tpu.memory_space<vmem_shared>>
      tpu.wait_dma2 semaphore(%run_scoped3A : memref<!tpu.dma_semaphore, #tpu.memory_space<semaphore_mem>>) src(%dma_wait3A_27 : memref<640x128xf32, #tpu.memory_space<vmem_shared>>) dst(%dma_wait3A_25 : memref<640x128xf32, #tpu.memory_space<hbm>>)
      tpu.yield
    }) : () -> ()
    return
  }
}

module attributes {stable_mosaic.version = 14 : i64} {
  func.func @body(%arg0: memref<2x2x10240x1xf32, #tpu.memory_space<vmem>>, %arg1: memref<10000x128xf32, #tpu.memory_space<vmem>>, %arg2: memref<128x128xf32, #tpu.memory_space<vmem>>, %arg3: memref<10240x128xf32, #tpu.memory_space<vmem>>, %arg4: memref<10000x1xf32, #tpu.memory_space<vmem>>, %arg5: memref<10000x1xf32, #tpu.memory_space<vmem>>) attributes {dimension_semantics = [], scalar_prefetch = 0 : i64, scratch_operands = 0 : i64, tpu.core_type = #tpu.core_type<tc>} {
    %get3A = arith.constant 0 : index
    %get3A_0 = arith.constant 0 : index
    %get3A_1 = arith.constant 0 : index
    %get3A_2 = arith.constant 0 : index
    %get3A_3 = vector.load %arg0[%get3A, %get3A_0, %get3A_1, %get3A_2] : memref<2x2x10240x1xf32, #tpu.memory_space<vmem>>, vector<2x2x10240x1xf32>
    %slice3A = vector.extract_strided_slice %get3A_3 {offsets = [0, 0, 0, 0], sizes = [1, 1, 10000, 1], strides = [1, 1, 1, 1]} : vector<2x2x10240x1xf32> to vector<1x1x10000x1xf32>
    %squeeze3A = vector.shape_cast %slice3A : vector<1x1x10000x1xf32> to vector<10000x1xf32>
    %slice3A_4 = vector.extract_strided_slice %get3A_3 {offsets = [1, 0, 0, 0], sizes = [1, 1, 10000, 1], strides = [1, 1, 1, 1]} : vector<2x2x10240x1xf32> to vector<1x1x10000x1xf32>
    %squeeze3A_5 = vector.shape_cast %slice3A_4 : vector<1x1x10000x1xf32> to vector<10000x1xf32>
    %add3A = arith.addf %squeeze3A, %squeeze3A_5 : vector<10000x1xf32>
    %slice3A_6 = vector.extract_strided_slice %get3A_3 {offsets = [0, 1, 0, 0], sizes = [1, 1, 10000, 1], strides = [1, 1, 1, 1]} : vector<2x2x10240x1xf32> to vector<1x1x10000x1xf32>
    %squeeze3A_7 = vector.shape_cast %slice3A_6 : vector<1x1x10000x1xf32> to vector<10000x1xf32>
    %slice3A_8 = vector.extract_strided_slice %get3A_3 {offsets = [1, 1, 0, 0], sizes = [1, 1, 10000, 1], strides = [1, 1, 1, 1]} : vector<2x2x10240x1xf32> to vector<1x1x10000x1xf32>
    %squeeze3A_9 = vector.shape_cast %slice3A_8 : vector<1x1x10000x1xf32> to vector<10000x1xf32>
    %add3A_10 = arith.addf %squeeze3A_7, %squeeze3A_9 : vector<10000x1xf32>
    %max3A = arith.constant 1.000000e+00 : f32
    %max3A_11 = vector.broadcast %max3A : f32 to vector<10000x1xf32>
    %max3A_12 = arith.maximumf %add3A, %max3A_11 : vector<10000x1xf32>
    %rsqrt3A = math.rsqrt %max3A_12 : vector<10000x1xf32>
    %max3A_13 = arith.constant 1.000000e+00 : f32
    %max3A_14 = vector.broadcast %max3A_13 : f32 to vector<10000x1xf32>
    %max3A_15 = arith.maximumf %add3A_10, %max3A_14 : vector<10000x1xf32>
    %rsqrt3A_16 = math.rsqrt %max3A_15 : vector<10000x1xf32>
    %get3A_17 = arith.constant 0 : index
    %get3A_18 = arith.constant 0 : index
    %get3A_19 = vector.load %arg1[%get3A_17, %get3A_18] : memref<10000x128xf32, #tpu.memory_space<vmem>>, vector<10000x128xf32>
    %get3A_20 = arith.constant 0 : index
    %get3A_21 = arith.constant 0 : index
    %get3A_22 = vector.load %arg2[%get3A_20, %get3A_21] : memref<128x128xf32, #tpu.memory_space<vmem>>, vector<128x128xf32>
    %dot_general3A = arith.constant dense<0.000000e+00> : vector<10000x128xf32>
    %dot_general3A_23 = tpu.matmul %get3A_19, %get3A_22, %dot_general3A {dimension_numbers = #tpu.dot_dimension_numbers<[1], [0], [0], [1], [0, 0, 1, 1], [], []>, transpose_lhs_hint = false} : vector<10000x128xf32>, vector<128x128xf32>, vector<10000x128xf32> -> vector<10000x128xf32>
    %mul3A = vector.broadcast %rsqrt3A : vector<10000x1xf32> to vector<10000x128xf32>
    %mul3A_24 = arith.mulf %dot_general3A_23, %mul3A : vector<10000x128xf32>
    %swap3A = arith.constant 0 : index
    %swap3A_25 = arith.constant 0 : index
    %swap3A_26 = vector.load %arg3[%swap3A, %swap3A_25] : memref<10240x128xf32, #tpu.memory_space<vmem>>, vector<10000x128xf32>
    tpu.vector_store %arg3[%swap3A, %swap3A_25], %mul3A_24 {strides = array<i32>} : memref<10240x128xf32, #tpu.memory_space<vmem>>, vector<10000x128xf32>,
    %broadcast_in_dim3A = arith.constant 0.000000e+00 : f32
    %broadcast_in_dim3A_27 = vector.broadcast %broadcast_in_dim3A : f32 to vector<240x128xf32>
    %swap3A_28 = arith.constant 10000 : index
    %swap3A_29 = arith.constant 0 : index
    %swap3A_30 = vector.load %arg3[%swap3A_28, %swap3A_29] : memref<10240x128xf32, #tpu.memory_space<vmem>>, vector<240x128xf32>
    tpu.vector_store %arg3[%swap3A_28, %swap3A_29], %broadcast_in_dim3A_27 {strides = array<i32>} : memref<10240x128xf32, #tpu.memory_space<vmem>>, vector<240x128xf32>,
    %swap3A_31 = arith.constant 0 : index
    %swap3A_32 = arith.constant 0 : index
    %swap3A_33 = vector.load %arg4[%swap3A_31, %swap3A_32] : memref<10000x1xf32, #tpu.memory_space<vmem>>, vector<10000x1xf32>
    tpu.vector_store %arg4[%swap3A_31, %swap3A_32], %rsqrt3A {strides = array<i32>} : memref<10000x1xf32, #tpu.memory_space<vmem>>, vector<10000x1xf32>,
    %swap3A_34 = arith.constant 0 : index
    %swap3A_35 = arith.constant 0 : index
    %swap3A_36 = vector.load %arg5[%swap3A_34, %swap3A_35] : memref<10000x1xf32, #tpu.memory_space<vmem>>, vector<10000x1xf32>
    tpu.vector_store %arg5[%swap3A_34, %swap3A_35], %rsqrt3A_16 {strides = array<i32>} : memref<10000x1xf32, #tpu.memory_space<vmem>>, vector<10000x1xf32>,
    return
  }
}

module attributes {stable_mosaic.version = 14 : i64} {
  func.func @body(%arg0: memref<2x10240x128xf32, #tpu.memory_space<vmem>>, %arg1: memref<10000x1xf32, #tpu.memory_space<vmem>>, %arg2: memref<10000x1xf32, #tpu.memory_space<vmem>>, %arg3: memref<1x128xf32, #tpu.memory_space<vmem>>, %arg4: memref<128x128xf32, #tpu.memory_space<vmem>>, %arg5: memref<10240x128xf32, #tpu.memory_space<vmem>>) attributes {dimension_semantics = [], scalar_prefetch = 0 : i64, scratch_operands = 0 : i64, tpu.core_type = #tpu.core_type<tc>} {
    %get3A = arith.constant 0 : index
    %get3A_0 = arith.constant 0 : index
    %get3A_1 = arith.constant 0 : index
    %get3A_2 = vector.load %arg0[%get3A, %get3A_0, %get3A_1] : memref<2x10240x128xf32, #tpu.memory_space<vmem>>, vector<2x10240x128xf32>
    %slice3A = vector.extract_strided_slice %get3A_2 {offsets = [0, 0, 0], sizes = [1, 10000, 128], strides = [1, 1, 1]} : vector<2x10240x128xf32> to vector<1x10000x128xf32>
    %squeeze3A = vector.shape_cast %slice3A : vector<1x10000x128xf32> to vector<10000x128xf32>
    %slice3A_3 = vector.extract_strided_slice %get3A_2 {offsets = [1, 0, 0], sizes = [1, 10000, 128], strides = [1, 1, 1]} : vector<2x10240x128xf32> to vector<1x10000x128xf32>
    %squeeze3A_4 = vector.shape_cast %slice3A_3 : vector<1x10000x128xf32> to vector<10000x128xf32>
    %add3A = arith.addf %squeeze3A, %squeeze3A_4 : vector<10000x128xf32>
    %get3A_5 = arith.constant 0 : index
    %get3A_6 = arith.constant 0 : index
    %get3A_7 = vector.load %arg2[%get3A_5, %get3A_6] : memref<10000x1xf32, #tpu.memory_space<vmem>>, vector<10000x1xf32>
    %mul3A = vector.broadcast %get3A_7 : vector<10000x1xf32> to vector<10000x128xf32>
    %mul3A_8 = arith.mulf %add3A, %mul3A : vector<10000x128xf32>
    %get3A_9 = arith.constant 0 : index
    %get3A_10 = arith.constant 0 : index
    %get3A_11 = vector.load %arg3[%get3A_9, %get3A_10] : memref<1x128xf32, #tpu.memory_space<vmem>>, vector<1x128xf32>
    %add3A_12 = vector.broadcast %get3A_11 : vector<1x128xf32> to vector<10000x128xf32>
    %add3A_13 = arith.addf %mul3A_8, %add3A_12 : vector<10000x128xf32>
    %max3A = arith.constant 0.000000e+00 : f32
    %max3A_14 = vector.broadcast %max3A : f32 to vector<10000x128xf32>
    %max3A_15 = arith.maximumf %add3A_13, %max3A_14 : vector<10000x128xf32>
    %get3A_16 = arith.constant 0 : index
    %get3A_17 = arith.constant 0 : index
    %get3A_18 = vector.load %arg4[%get3A_16, %get3A_17] : memref<128x128xf32, #tpu.memory_space<vmem>>, vector<128x128xf32>
    %dot_general3A = arith.constant dense<0.000000e+00> : vector<10000x128xf32>
    %dot_general3A_19 = tpu.matmul %max3A_15, %get3A_18, %dot_general3A {dimension_numbers = #tpu.dot_dimension_numbers<[1], [0], [0], [1], [0, 0, 1, 1], [], []>, transpose_lhs_hint = false} : vector<10000x128xf32>, vector<128x128xf32>, vector<10000x128xf32> -> vector<10000x128xf32>
    %get3A_20 = arith.constant 0 : index
    %get3A_21 = arith.constant 0 : index
    %get3A_22 = vector.load %arg1[%get3A_20, %get3A_21] : memref<10000x1xf32, #tpu.memory_space<vmem>>, vector<10000x1xf32>
    %mul3A_23 = vector.broadcast %get3A_22 : vector<10000x1xf32> to vector<10000x128xf32>
    %mul3A_24 = arith.mulf %dot_general3A_19, %mul3A_23 : vector<10000x128xf32>
    %swap3A = arith.constant 0 : index
    %swap3A_25 = arith.constant 0 : index
    %swap3A_26 = vector.load %arg5[%swap3A, %swap3A_25] : memref<10240x128xf32, #tpu.memory_space<vmem>>, vector<10000x128xf32>
    tpu.vector_store %arg5[%swap3A, %swap3A_25], %mul3A_24 {strides = array<i32>} : memref<10240x128xf32, #tpu.memory_space<vmem>>, vector<10000x128xf32>,
    %broadcast_in_dim3A = arith.constant 0.000000e+00 : f32
    %broadcast_in_dim3A_27 = vector.broadcast %broadcast_in_dim3A : f32 to vector<240x128xf32>
    %swap3A_28 = arith.constant 10000 : index
    %swap3A_29 = arith.constant 0 : index
    %swap3A_30 = vector.load %arg5[%swap3A_28, %swap3A_29] : memref<10240x128xf32, #tpu.memory_space<vmem>>, vector<240x128xf32>
    tpu.vector_store %arg5[%swap3A_28, %swap3A_29], %broadcast_in_dim3A_27 {strides = array<i32>} : memref<10240x128xf32, #tpu.memory_space<vmem>>, vector<240x128xf32>,
    return
  }
}

module attributes {stable_mosaic.version = 14 : i64} {
  func.func @body(%arg0: memref<2x10240x128xf32, #tpu.memory_space<vmem>>, %arg1: memref<10000x1xf32, #tpu.memory_space<vmem>>, %arg2: memref<1x128xf32, #tpu.memory_space<vmem>>, %arg3: memref<10000x1xi32, #tpu.memory_space<vmem>>, %arg4: memref<1x128xf32, #tpu.memory_space<vmem>>, %arg5: memref<1x128xf32, #tpu.memory_space<vmem>>, %arg6: memref<128x128xf32, #tpu.memory_space<vmem>>, %arg7: memref<1x128xf32, #tpu.memory_space<vmem>>, %arg8: memref<128x40xf32, #tpu.memory_space<vmem>>, %arg9: memref<1x40xf32, #tpu.memory_space<vmem>>, %arg10: memref<128x128xf32, #tpu.memory_space<vmem>>, %arg11: memref<128x40xf32, #tpu.memory_space<vmem>>) attributes {dimension_semantics = [], scalar_prefetch = 0 : i64, scratch_operands = 0 : i64, tpu.core_type = #tpu.core_type<tc>} {
    %get3A = arith.constant 0 : index
    %get3A_0 = arith.constant 0 : index
    %get3A_1 = arith.constant 0 : index
    %get3A_2 = vector.load %arg0[%get3A, %get3A_0, %get3A_1] : memref<2x10240x128xf32, #tpu.memory_space<vmem>>, vector<2x10240x128xf32>
    %slice3A = vector.extract_strided_slice %get3A_2 {offsets = [0, 0, 0], sizes = [1, 10000, 128], strides = [1, 1, 1]} : vector<2x10240x128xf32> to vector<1x10000x128xf32>
    %squeeze3A = vector.shape_cast %slice3A : vector<1x10000x128xf32> to vector<10000x128xf32>
    %slice3A_3 = vector.extract_strided_slice %get3A_2 {offsets = [1, 0, 0], sizes = [1, 10000, 128], strides = [1, 1, 1]} : vector<2x10240x128xf32> to vector<1x10000x128xf32>
    %squeeze3A_4 = vector.shape_cast %slice3A_3 : vector<1x10000x128xf32> to vector<10000x128xf32>
    %add3A = arith.addf %squeeze3A, %squeeze3A_4 : vector<10000x128xf32>
    %get3A_5 = arith.constant 0 : index
    %get3A_6 = arith.constant 0 : index
    %get3A_7 = vector.load %arg1[%get3A_5, %get3A_6] : memref<10000x1xf32, #tpu.memory_space<vmem>>, vector<10000x1xf32>
    %mul3A = vector.broadcast %get3A_7 : vector<10000x1xf32> to vector<10000x128xf32>
    %mul3A_8 = arith.mulf %add3A, %mul3A : vector<10000x128xf32>
    %get3A_9 = arith.constant 0 : index
    %get3A_10 = arith.constant 0 : index
    %get3A_11 = vector.load %arg2[%get3A_9, %get3A_10] : memref<1x128xf32, #tpu.memory_space<vmem>>, vector<1x128xf32>
    %add3A_12 = vector.broadcast %get3A_11 : vector<1x128xf32> to vector<10000x128xf32>
    %add3A_13 = arith.addf %mul3A_8, %add3A_12 : vector<10000x128xf32>
    %max3A = arith.constant 0.000000e+00 : f32
    %max3A_14 = vector.broadcast %max3A : f32 to vector<10000x128xf32>
    %max3A_15 = arith.maximumf %add3A_13, %max3A_14 : vector<10000x128xf32>
    %get3A_16 = arith.constant 0 : index
    %get3A_17 = arith.constant 0 : index
    %get3A_18 = vector.load %arg3[%get3A_16, %get3A_17] : memref<10000x1xi32, #tpu.memory_space<vmem>>, vector<10000x1xi32>
    %iota3A = tpu.iota {dimensions = array<i32: 1>} : vector<1x128xi32>
    %eq3A = vector.broadcast %get3A_18 : vector<10000x1xi32> to vector<10000x128xi32>
    %eq3A_19 = vector.broadcast %iota3A : vector<1x128xi32> to vector<10000x128xi32>
    %eq3A_20 = arith.cmpi eq, %eq3A, %eq3A_19 : vector<10000x128xi32>
    %convert_element_type3A = arith.extui %eq3A_20 : vector<10000x128xi1> to vector<10000x128xi32>
    %convert_element_type3A_21 = arith.sitofp %convert_element_type3A : vector<10000x128xi32> to vector<10000x128xf32>
    %dot_general3A = arith.constant dense<0.000000e+00> : vector<128x128xf32>
    %dot_general3A_22 = tpu.matmul %convert_element_type3A_21, %max3A_15, %dot_general3A {dimension_numbers = #tpu.dot_dimension_numbers<[0], [0], [1], [1], [0, 1, 1, 1], [], []>, transpose_lhs_hint = false} : vector<10000x128xf32>, vector<10000x128xf32>, vector<128x128xf32> -> vector<128x128xf32>
    %swap3A = arith.constant 0 : index
    %swap3A_23 = arith.constant 0 : index
    %swap3A_24 = vector.load %arg10[%swap3A, %swap3A_23] : memref<128x128xf32, #tpu.memory_space<vmem>>, vector<128x128xf32>
    tpu.vector_store %arg10[%swap3A, %swap3A_23], %dot_general3A_22 {strides = array<i32>} : memref<128x128xf32, #tpu.memory_space<vmem>>, vector<128x128xf32>,
    %mul3A_25 = arith.constant 0.999994993 : f32
    %mul3A_26 = vector.broadcast %mul3A_25 : f32 to vector<128x128xf32>
    %mul3A_27 = arith.mulf %dot_general3A_22, %mul3A_26 : vector<128x128xf32>
    %get3A_28 = arith.constant 0 : index
    %get3A_29 = arith.constant 0 : index
    %get3A_30 = vector.load %arg4[%get3A_28, %get3A_29] : memref<1x128xf32, #tpu.memory_space<vmem>>, vector<1x128xf32>
    %mul3A_31 = vector.broadcast %get3A_30 : vector<1x128xf32> to vector<128x128xf32>
    %mul3A_32 = arith.mulf %mul3A_27, %mul3A_31 : vector<128x128xf32>
    %get3A_33 = arith.constant 0 : index
    %get3A_34 = arith.constant 0 : index
    %get3A_35 = vector.load %arg5[%get3A_33, %get3A_34] : memref<1x128xf32, #tpu.memory_space<vmem>>, vector<1x128xf32>
    %add3A_36 = vector.broadcast %get3A_35 : vector<1x128xf32> to vector<128x128xf32>
    %add3A_37 = arith.addf %mul3A_32, %add3A_36 : vector<128x128xf32>
    %get3A_38 = arith.constant 0 : index
    %get3A_39 = arith.constant 0 : index
    %get3A_40 = vector.load %arg6[%get3A_38, %get3A_39] : memref<128x128xf32, #tpu.memory_space<vmem>>, vector<128x128xf32>
    %dot_general3A_41 = arith.constant dense<0.000000e+00> : vector<128x128xf32>
    %dot_general3A_42 = tpu.matmul %add3A_37, %get3A_40, %dot_general3A_41 {dimension_numbers = #tpu.dot_dimension_numbers<[1], [0], [0], [1], [0, 0, 1, 1], [], []>, transpose_lhs_hint = false} : vector<128x128xf32>, vector<128x128xf32>, vector<128x128xf32> -> vector<128x128xf32>
    %get3A_43 = arith.constant 0 : index
    %get3A_44 = arith.constant 0 : index
    %get3A_45 = vector.load %arg7[%get3A_43, %get3A_44] : memref<1x128xf32, #tpu.memory_space<vmem>>, vector<1x128xf32>
    %add3A_46 = vector.broadcast %get3A_45 : vector<1x128xf32> to vector<128x128xf32>
    %add3A_47 = arith.addf %dot_general3A_42, %add3A_46 : vector<128x128xf32>
    %max3A_48 = arith.constant 0.000000e+00 : f32
    %max3A_49 = vector.broadcast %max3A_48 : f32 to vector<128x128xf32>
    %max3A_50 = arith.maximumf %add3A_47, %max3A_49 : vector<128x128xf32>
    %get3A_51 = arith.constant 0 : index
    %get3A_52 = arith.constant 0 : index
    %get3A_53 = vector.load %arg8[%get3A_51, %get3A_52] : memref<128x40xf32, #tpu.memory_space<vmem>>, vector<128x40xf32>
    %dot_general3A_54 = arith.constant dense<0.000000e+00> : vector<128x40xf32>
    %dot_general3A_55 = tpu.matmul %max3A_50, %get3A_53, %dot_general3A_54 {dimension_numbers = #tpu.dot_dimension_numbers<[1], [0], [0], [1], [0, 0, 1, 1], [], []>, transpose_lhs_hint = false} : vector<128x128xf32>, vector<128x40xf32>, vector<128x40xf32> -> vector<128x40xf32>
    %get3A_56 = arith.constant 0 : index
    %get3A_57 = arith.constant 0 : index
    %get3A_58 = vector.load %arg9[%get3A_56, %get3A_57] : memref<1x40xf32, #tpu.memory_space<vmem>>, vector<1x40xf32>
    %add3A_59 = vector.broadcast %get3A_58 : vector<1x40xf32> to vector<128x40xf32>
    %add3A_60 = arith.addf %dot_general3A_55, %add3A_59 : vector<128x40xf32>
    %reduce_max3A = arith.constant dense<0xFF800000> : vector<128xf32>
    %reduce_max3A_61 = vector.multi_reduction <maximumf>, %add3A_60, %reduce_max3A [1] : vector<128x40xf32> to vector<128xf32>
    %broadcast_in_dim3A = vector.shape_cast %reduce_max3A_61 : vector<128xf32> to vector<128x1xf32>
    %sub3A = vector.broadcast %broadcast_in_dim3A : vector<128x1xf32> to vector<128x40xf32>
    %sub3A_62 = arith.subf %add3A_60, %sub3A : vector<128x40xf32>
    %exp3A = math.exp %sub3A_62 : vector<128x40xf32>
    %reduce_sum3A = arith.constant dense<0.000000e+00> : vector<128xf32>
    %reduce_sum3A_63 = vector.multi_reduction <add>, %exp3A, %reduce_sum3A [1] : vector<128x40xf32> to vector<128xf32>
    %broadcast_in_dim3A_64 = vector.shape_cast %reduce_sum3A_63 : vector<128xf32> to vector<128x1xf32>
    %log3A = math.log %broadcast_in_dim3A_64 : vector<128x1xf32>
    %sub3A_65 = vector.broadcast %log3A : vector<128x1xf32> to vector<128x40xf32>
    %sub3A_66 = arith.subf %sub3A_62, %sub3A_65 : vector<128x40xf32>
    %swap3A_67 = arith.constant 0 : index
    %swap3A_68 = arith.constant 0 : index
    %swap3A_69 = vector.load %arg11[%swap3A_67, %swap3A_68] : memref<128x40xf32, #tpu.memory_space<vmem>>, vector<128x40xf32>
    tpu.vector_store %arg11[%swap3A_67, %swap3A_68], %sub3A_66 {strides = array<i32>} : memref<128x40xf32, #tpu.memory_space<vmem>>, vector<128x40xf32>,
    return
  }
}

</mosaic_0001>

<sc_bundles>
// kernel: kernel.11.cloned.1.call-start
scs
__scs_entry_jumppad:
0x0: {  	(pc) =	sbr.rel $0x88, $3  }
0x1: {  	(tag) =	ssettag $0x0;
	lr =	simm.s32 $0x1  }
0x2: {  	[smem:$0x3F94] =	sst lr;
	_ =	strace $0xD0000000  }
0x3: {  	_ = 	snop  }
0x4: {  	_ = 	snop  }
0x5: {  	_ = 	snop  }
0x6: {  	_ = 	snop  }
0x7: {  	_ = 	snop  }
__scs_overlays_trampoline_lowered:
0x8: {  	[smem:$0x3FA3] =	sst s0  }
0x9: {  	[smem:$0x3FA4] =	sst s1  }
0xa: {  	[smem:$0x3FA5] =	sst s2  }
0xb: {  	[smem:$0x3FA6] =	sst s3  }
0xc: {  	[smem:$0x3FA7] =	sst s4  }
0xd: {  	[smem:$0x3FA8] =	sst s5  }
0xe: {  	[smem:$0x3FA9] =	sst s6  }
0xf: {  	[smem:$0x3FAA] =	sst s7  }
0x10: {  	[smem:$0x3FAB] =	sst s8  }
0x11: {  	[smem:$0x3FAC] =	sst s9;
	s0 =	simm.s32 @!p0 $0x0  }
0x12: {  	s1 =	sld [smem:$0x3F92];
	s0 =	simm.s32 @p0 $0x1  }
0x13: {  	[smem:$0x3FAD] =	sst s0;
	s0 =	simm.s32 @!p1 $0x0  }
0x14: {  	s2 =	sld [smem:$0x3F91];
	s0 =	simm.s32 @p1 $0x1  }
0x15: {  	[smem:$0x3FAE] =	sst s0;
	s0 =	simm.s32 @!p2 $0x0  }
0x16: {  	s3 =	sld [smem:$0x3FDB];
	s0 =	simm.s32 @p2 $0x1  }
0x17: {  	s4 =	simm.s32 $0x1BF5;
	[smem:$0x3FB0] =	sst s0  }
0x18: {  	s0 =	sld [smem:$0x3F93];
	_ =	swait.ge [sflag:s4], $0x0  }
0x19: {  	s7 =	sld [smem:$0x3F94]  }
0x1a: {  	s8 =	sadd.s32 $0xFFFFE003, lr  }
0x1b: {  	s9 =	sadd.s32 $0xFFFFFEF7, lr;
	s5 =	simm.s32 $0xFFFFFFFF;
	p2 =	slt.u32 s8, $0xFFFFF086  }
0x1c: {  	p1 =	slt.u32 s9, $0xF7A;
	s5 =	simm.s32 @!p2 $0x0  }
0x1d: {  	s5 =	simm.s32 @p1 $0x1;
	p0 =	seq.s32 s7, s2  }
0x1e: {  	s7 =	smul.u32 @!p0 $0xF7A, s2;
	p2 =	seq.s32 @!p0 s5, $0x0  }
0x1f: {  	s9 =	smul.u32 $0xF7A, s1;
	s8 =	simm.s32 @!p0 $0x1BF5;
	p2 =	por !p2, p0  }
0x20: {  	[sflag:s8] =	ssyncset.s32 @!p0 $0xFFFFF086;
	s6 =	sadd.s32 @!p0 s3, s7;
	s7 =	simm.s32 @!p0 $0x108  }
0x21: {  	s3 =	sadd.s32 s3, s9;
	s6 =	sadd.s32 @!p0 $0x88, s6;
	s7 =	simm.s32 @p2 $0x1082  }
0x22: {  	[simem:s7], [sflag:s8] =	dma.local @!p0 [hbm:s6], $0xF7A  }
0x23: {  	s9 =	sor.u32 $0xD0000000, s2;
	s6 =	simm.s32 $0x108;
	_ =	swait.ge @!p0 [sflag:s8], $0x0  }
0x24: {  	s3 =	sadd.s32 $0x88, s3;
	s6 =	simm.s32 @!p1 $0x1082;
	[sflag:s4] =	ssyncset.s32 $0xFFFFF086  }
0x25: {  	[simem:s6], [sflag:s4] =	dma.local [hbm:s3], $0xF7A  }
0x26: {  	[smem:$0x3F94] =	sst s1;
	(tag) =	ssettag s2;
	_ =	strace s9  }
0x27: {  	s1 =	sld [smem:$0x3FA4]  }
0x28: {  	s2 =	sld [smem:$0x3FA5]  }
0x29: {  	s4 =	sld [smem:$0x3FA7]  }
0x2a: {  	p0 =	seq.s32 s5, $0x0;
	s5 =	sld [smem:$0x3FA8]  }
0x2b: {  	s6 =	sld [smem:$0x3FA9]  }
0x2c: {  	s7 =	sld [smem:$0x3FAA]  }
0x2d: {  	s3 =	simm.s32 $0x108;
	s8 =	sld [smem:$0x3FAB]  }
0x2e: {  	s3 =	simm.s32 @!p0 $0x1082;
	s9 =	sld [smem:$0x3FAC]  }
0x2f: {  	lr =	sadd.s32 s0, s3;
	s0 =	sld [smem:$0x3FA3]  }
0x30: {  	s3 =	sld [smem:$0x3FA6]  }
0x31: {  	[smem:$0x3FAF] =	sst s10  }
0x32: {  	s10 =	sld [smem:$0x3FAD];
	_ =	sdelay $0x3  }
0x33: {  	p0 =	seq.s32 s10, $0x1;
	s10 =	sld [smem:$0x3FAF];
	_ =	sdelay $0x3  }
0x34: {  	[smem:$0x3FAF] =	sst s10  }
0x35: {  	s10 =	sld [smem:$0x3FAE];
	_ =	sdelay $0x3  }
0x36: {  	p1 =	seq.s32 s10, $0x1;
	s10 =	sld [smem:$0x3FAF];
	_ =	sdelay $0x3  }
0x37: {  	[smem:$0x3FAF] =	sst s10  }
0x38: {  	s10 =	sld [smem:$0x3FB0]  }
0x39: {  	_ = 	snop;
	(pc) =	sbr.ind lr, $3  }
0x3a: {  	_ = 	snop  }
0x3b: {  	_ = 	snop  }
0x3c: {  	p2 =	seq.s32 s10, $0x1;
	s10 =	sld [smem:$0x3FAF]  }
0x3d: {  	_ =	shalt  }
0x3e: {  	_ =	shalt  }
0x3f: {  	_ =	shalt  }
0x40: {  	_ =	shalt  }
0x41: {  	_ =	shalt  }
0x42: {  	_ =	shalt  }
0x43: {  	_ =	shalt  }
0x44: {  	_ =	shalt  }
0x45: {  	_ =	shalt  }
0x46: {  	_ =	shalt  }
0x47: {  	_ =	shalt  }
0x48: {  	_ =	shalt  }
0x49: {  	_ =	shalt  }
0x4a: {  	_ =	shalt  }
0x4b: {  	_ =	shalt  }
0x4c: {  	_ =	shalt  }
0x4d: {  	_ =	shalt  }
0x4e: {  	_ =	shalt  }
0x4f: {  	_ =	shalt  }
0x50: {  	_ =	shalt  }
0x51: {  	_ =	shalt  }
0x52: {  	_ =	shalt  }
0x53: {  	_ =	shalt  }
0x54: {  	_ =	shalt  }
0x55: {  	_ =	shalt  }
0x56: {  	_ =	shalt  }
0x57: {  	_ =	shalt  }
0x58: {  	_ =	shalt  }
0x59: {  	_ =	shalt  }
0x5a: {  	_ =	shalt  }
0x5b: {  	_ =	shalt  }
0x5c: {  	_ =	shalt  }
0x5d: {  	_ =	shalt  }
0x5e: {  	_ =	shalt  }
0x5f: {  	_ =	shalt  }
0x60: {  	_ =	shalt  }
0x61: {  	_ =	shalt  }
0x62: {  	_ =	shalt  }
0x63: {  	_ =	shalt  }
0x64: {  	_ =	shalt  }
0x65: {  	_ =	shalt  }
0x66: {  	_ =	shalt  }
0x67: {  	_ =	shalt  }
0x68: {  	_ =	shalt  }
0x69: {  	_ =	shalt  }
0x6a: {  	_ =	shalt  }
0x6b: {  	_ =	shalt  }
0x6c: {  	_ =	shalt  }
0x6d: {  	_ =	shalt  }
0x6e: {  	_ =	shalt  }
0x6f: {  	_ =	shalt  }
0x70: {  	_ =	shalt  }
0x71: {  	_ =	shalt  }
0x72: {  	_ =	shalt  }
0x73: {  	_ =	shalt  }
0x74: {  	_ =	shalt  }
0x75: {  	_ =	shalt  }
0x76: {  	_ =	shalt  }
0x77: {  	_ =	shalt  }
0x78: {  	_ =	shalt  }
0x79: {  	_ =	shalt  }
0x7a: {  	_ =	shalt  }
0x7b: {  	_ =	shalt  }
0x7c: {  	_ =	shalt  }
0x7d: {  	_ =	shalt  }
0x7e: {  	_ =	shalt  }
0x7f: {  	_ =	shalt  }
0x80: {  	_ =	shalt  }
0x81: {  	_ =	shalt  }
0x82: {  	_ =	shalt  }
0x83: {  	_ =	shalt  }
0x84: {  	_ =	shalt  }
0x85: {  	_ =	shalt  }
0x86: {  	_ =	shalt  }
0x87: {  	_ =	shalt  }
.Lfunc_end0:
.L_simem_size_0:
called_computation.1_lowered:
.L_overlay_start_0:
0x88: {  	s2 =	sld [smem:$0x3FD9]  }
0x89: {  	s3 =	sld [smem:$0x3FFE];
	_ =	sdelay $0x1  }
0x8a: {  	s1 =	srdreg.scid  }
0x8b: {  	s0 =	sand.u32 $0x1, s1  }
0x8c: {  	s16 =	sshll.u32 s0, $0xA;
	s2 =	sadd.s32 s3, s2  }
0x8d: {  	s2 =	sadd.s32 s2, s16  }
0x8e: {  	[smem:$0x3FBB] =	sst s2  }
0x8f: {  	_ = 	snop  }
0x90: {  	(tm) =	ssettm $0x1  }
0x91: {  	s17 =	sld [smem:$0x3FFB];
	_ =	sdelay $0x3  }
0x92: {  	_ =	strace s17  }
0x93: {  	s2 =	sld [smem:$0x3FFC];
	_ =	sdelay $0x3  }
0x94: {  	_ =	strace s2  }
0x95: {  	s2 =	sld [smem:$0x3FFD];
	_ =	sdelay $0x3  }
0x96: {  	_ =	strace s2  }
0x97: {  	_ =	strace $0x8FFFFFFF  }
0x98: {  	s18 =	sld [smem:$0x3FDB];
	_ =	sdelay $0x1  }
0x99: {  	s19 =	simm.s32 $_scs_section_size  }
0x9a: {  	s4 =	simm.s32 $_size__tile_overlayer_lowered;
	s5 =	simm.s32 $_tile_overlayer_lowered  }
0x9b: {  	s22 =	simm.s32 $0x1BFF;
	s21 =	sshll.u32 s5, $0x1;
	s2 =	sadd.s32 s19, s18  }
0x9c: {  	s6 =	simm.s32 $0x0;
	s20 =	sshll.u32 s4, $0x1;
	s4 =	sadd.s32 s21, s2  }
0x9d: {  	[timem:s6], [sflag:s22] =	dma.local [hbm:s4], s20  }
0x9e: {  	_ =	swait.ge [sflag:s22], s20  }
0x9f: {  	s3 =	ssub.s32 $0x0, s20;
	[sflag:s22] =	ssyncset.done $0x0  }
0xa0: {  	[sflag:s22] =	ssyncadd.s32 s3;
	_ =	sdelay $0x1  }
0xa1: {  	s23 =	simm.s32 $0x1B8B  }
0xa2: {  	_ =	swait.ge [sflag:s23], $0x1  }
0xa3: {  	[sflag:s23] =	ssyncset.done $0x0  }
0xa4: {  	s25 =	simm.s32 $0x1B8E;
	s24 =	sld [smem:$0x3FFE];
	[sflag:s23] =	ssyncadd.s32 $0xFFFFFFFF  }
0xa5: {  	s26 =	simm.s32 $execute0_lowered;
	[smem:$0x3FD2] =	sst s25  }
0xa6: {  	s4 =	sshll.u32 s26, $0x1;
	_ =	strace $0x80000049;
	[dreg:$0x1] =	wrdreg $0xFFFFFFFF  }
0xa7: {  	s28 =	simm.s32 $_size_execute0_lowered;
	s2 =	sadd.s32 s2, s4;
	[dreg:$0x0] =	wrdreg $0x0  }
0xa8: {  	s4 =	sshll.u32 s28, $0x1;
	[dreg:$0x2] =	wrdreg s2  }
0xa9: {  	[dreg:$0x3] =	wrdreg s4  }
0xaa: {  	[dreg:$0x4] =	wrdreg $0xC0  }
0xab: {  	_ =	task [dreg:s6], $0x5FFFF  }
0xac: {  	[dreg:$0x1] =	wrdreg $0xFFFFFFFF  }
0xad: {  	[dreg:$0x0] =	wrdreg $0x60  }
0xae: {  	[dreg:$0x2] =	wrdreg s24  }
0xaf: {  	[dreg:$0x3] =	wrdreg $0xA8000  }
0xb0: {  	[dreg:$0x4] =	wrdreg $0x9  }
0xb1: {  	_ =	task.clear_ibuf [dreg:s6], $0x5FFFF;
	_ =	strace $0x90000049  }
0xb2: {  	s29 =	simm.s32 $0x9;
	_ =	strace $0x8000004B  }
0xb3: {  	_ =	swait.ge [sflag:s29], $0x1  }
0xb4: {  	[sflag:s29] =	ssyncadd.s32 $0xFFFFFFFF  }
0xb5: {  	_ =	strace $0x9000004B  }
0xb6: {  	_ =	sfence  }
0xb7: {  	s30 =	sld [smem:$0x0];
	_ =	sdelay $0x2  }
0xb8: {  	s31 =	sshll.u32 s1, $0xD;
	s1 =	sshrl.u32 s1, $0x2  }
0xb9: {  	s3 =	sand.u32 $0x4000, s31;
	s1 =	sadd.s32 s1, s30  }
0xba: {  	s0 =	sor.u32 s3, s0;
	s1 =	sshll.u32 s1, $0x11  }
0xbb: {  	s0 =	sor.u32 s1, s0  }
0xbc: {  	s0 =	sadd.s32 $0x8F2B, s0  }
0xbd: {  	[sflag:s0] =	ssyncadd.remote.s32 $0x1  }
0xbe: {  	_ =	sfence.sel $0xFFFF  }
0xbf: {  	[dreg:$0x0] =	wrdreg $0xFFFFFFFF;
	(pc) =	sbr.abs _section_cstart, $3  }
0xc0: {  	[dreg:$0x1] =	wrdreg $0xFFFFFFFF  }
0xc1: {  	_ =	task.clear_ibuf [dreg:s6], $0x2FFFF;
	_ =	strace $0x9FFFFFFF  }
0xc2: {  	(tm) =	ssettm $0x7FFFFFFF  }
0xc3: {  	_ =	shalt  }
tec
execute0_lowered:
.L_overlay_start_1:
0x0: {  	(tag) =	ssettag $0x1  }
0x1: {  	s5 =	rddreg [dreg:$0x0]  }
0x2: {  	s1 =	rddreg [dreg:$0x1]  }
0x3: {  	s0 =	rddreg [dreg:$0x2];
	s3 =	simm.s32 $0x0;
	s2 =	srdreg.scid  }
0x4: {  	s17 =	simm.s32 $0x1;
	s18 =	simm.s32 $0x4000;
	s19 =	simm.s32 $0x8000  }
0x5: {  	s20 =	simm.s32 $0x50;
	[smem:$0x7FF] =	sst s3;
	s6 =	sand.u32 $0x1, s2  }
0x6: {  	s23 =	simm.s32 $0x0;
	s2 =	stileid.u32;
	s7 =	smul.u32 $0x140000, s6  }
0x7: {  	s4 =	sadd.s32 $0x23200, s5;
	_ =	strace $0x8000004A;
	s8 =	smul.u32 $0x14000, s2  }
0x8: {  	s9 =	sshll.u32 s6, $0xF;
	s10 =	sshll.u32 s2, $0xB;
	s6 =	ssub.s32 $0x2, s6  }
0x9: {  	s30 =	smul.u32 $0x50000, s2;
	s21 =	sshll.u32 s2, $0x6;
	s9 =	sor.u32 s10, s9  }
0xa: {  	s29 =	sshrl.u32 s6, $0x1;
	s21 =	sor.u32 $0x1C01, s21;
	s7 =	sadd.s32 s8, s7  }
0xb: {  	s9 =	sadd.s32 s9, s5;
	s11 =	ssub.s32 s6, s29;
	s31 =	sshrl.u32 s30, $0x2  }
0xc: {  	s7 =	sshrl.u32 s7, $0x3;
	s6 =	sadd.s32 $0x3200, s9;
	s8 =	sadd.s32 s31, s1  }
0xd: {  	s7 =	sadd.s32 s7, s5;
	s5 =	sadd.s32 $0x13200, s9;
	s9 =	smax.u32 s11, $0x1  }
0xe: {  	s10 =	sadd.s32 $0x2800, s8;
	s11 =	sadd.s32 $0x5000, s8;
	s12 =	sadd.s32 $0x7800, s8  }
0xf: {  	s13 =	sadd.s32 $0xA000, s8;
	s14 =	sadd.s32 $0xC800, s8;
	s15 =	sadd.s32 $0xF000, s8  }
0x10: {  	v0 =	vimm.f32 $0.0e+00;
	s16 =	sadd.s32 $0x11800, s8;
	s22 =	sshrl.u32 s8, $0x3;
	s7 =	sadd.s32 $0x4B200, s7  }
.LBB2_1:
0x11: {  	[tilespmem:s3], [sflag:$0x1] =	stream.linear.gather [hbm4b:s5+s3], $0x3E80, $0x38;
	[tilespmem:$0x1E800] =	vst v63  }
0x12: {  	_ =	swait.ge [sflag:s17], $0x3E80  }
0x13: {  	[sflag:s17] =	ssyncset.done $0x0  }
0x14: {  	[sflag:s17] =	ssyncadd.s32 $0xFFFFC180  }
0x15: {  	[tilespmem:s18], [sflag:$0x1] =	stream.linear.gather [hbm4b:s6+s3], $0x3E80, $0x38;
	[tilespmem:$0x1E800] =	vst v63  }
0x16: {  	_ =	swait.ge [sflag:s17], $0x3E80  }
0x17: {  	[sflag:s17] =	ssyncset.done $0x0  }
0x18: {  	s24 =	simm.s32 $0x70;
	s25 =	simm.s32 $0x3C0;
	[sflag:s17] =	ssyncadd.s32 $0xFFFFC180  }
.LBB2_2:
0x19: {  	p0 =	sne.s32 s25, $0x9FC0;
	[tilespmem:s24+$0x8000] =	vst v0  }
0x1a: {  	[tilespmem:s24+$0x7F90] =	vst v0  }
0x1b: {  	[tilespmem:s24+$0x7FA0] =	vst v0  }
.Ltmp0:
0x1c: {  	[tilespmem:s24+$0x7FB0] =	vst v0;
	(pc) =	sbr.rel @p0 .LBB2_2-.Ltmp0, $4  }
0x1d: {  	[tilespmem:s24+$0x7FC0] =	vst v0  }
0x1e: {  	[tilespmem:s24+$0x7FD0] =	vst v0  }
0x1f: {  	[tilespmem:s24+$0x7FE0] =	vst v0  }
0x20: {  	[tilespmem:s24+$0x7FF0] =	vst v0;
	s24 =	sshra.s32 s25, $0x2;
	s25 =	sadd.s32 $0x200, s25  }
0x21: {  	[tilespmem:s24+$0x8000] =	vst v0  }
0x22: {  	[tilespmem:s24+$0x7F90] =	vst v0  }
0x23: {  	[tilespmem:s24+$0x7FA0] =	vst v0  }
0x24: {  	[tilespmem:s24+$0x7FB0] =	vst v0  }
0x25: {  	[tilespmem:s24+$0x7FC0] =	vst v0  }
0x26: {  	[tilespmem:s24+$0x7FD0] =	vst v0  }
0x27: {  	[tilespmem:s24+$0x7FE0] =	vst v0  }
0x28: {  	[tilespmem:s24+$0x7FF0] =	vst v0  }
0x29: {  	[spmem:s8] =	stream.linear.scatter [tilespmem:s19], [sflag:$0x1], $0x2800, $0x38;
	[tilespmem:$0x1E800] =	vst v63  }
0x2a: {  	_ =	swait.ge [sflag:s17], $0x2800  }
0x2b: {  	[sflag:s17] =	ssyncset.done $0x0  }
0x2c: {  	[sflag:s17] =	ssyncadd.s32 $0xFFFFD800  }
0x2d: {  	[spmem:s10] =	stream.linear.scatter [tilespmem:s19], [sflag:$0x1], $0x2800, $0x38;
	[tilespmem:$0x1E800] =	vst v63  }
0x2e: {  	_ =	swait.ge [sflag:s17], $0x2800  }
0x2f: {  	[sflag:s17] =	ssyncset.done $0x0  }
0x30: {  	[sflag:s17] =	ssyncadd.s32 $0xFFFFD800  }
0x31: {  	[spmem:s11] =	stream.linear.scatter [tilespmem:s19], [sflag:$0x1], $0x2800, $0x38;
	[tilespmem:$0x1E800] =	vst v63  }
0x32: {  	_ =	swait.ge [sflag:s17], $0x2800  }
0x33: {  	[sflag:s17] =	ssyncset.done $0x0  }
0x34: {  	[sflag:s17] =	ssyncadd.s32 $0xFFFFD800  }
0x35: {  	[spmem:s12] =	stream.linear.scatter [tilespmem:s19], [sflag:$0x1], $0x2800, $0x38;
	[tilespmem:$0x1E800] =	vst v63  }
0x36: {  	_ =	swait.ge [sflag:s17], $0x2800  }
0x37: {  	[sflag:s17] =	ssyncset.done $0x0  }
0x38: {  	[sflag:s17] =	ssyncadd.s32 $0xFFFFD800  }
0x39: {  	[spmem:s13] =	stream.linear.scatter [tilespmem:s19], [sflag:$0x1], $0x2800, $0x38;
	[tilespmem:$0x1E800] =	vst v63  }
0x3a: {  	_ =	swait.ge [sflag:s17], $0x2800  }
0x3b: {  	[sflag:s17] =	ssyncset.done $0x0  }
0x3c: {  	[sflag:s17] =	ssyncadd.s32 $0xFFFFD800  }
0x3d: {  	[spmem:s14] =	stream.linear.scatter [tilespmem:s19], [sflag:$0x1], $0x2800, $0x38;
	[tilespmem:$0x1E800] =	vst v63  }
0x3e: {  	_ =	swait.ge [sflag:s17], $0x2800  }
0x3f: {  	[sflag:s17] =	ssyncset.done $0x0  }
0x40: {  	[sflag:s17] =	ssyncadd.s32 $0xFFFFD800  }
0x41: {  	[spmem:s15] =	stream.linear.scatter [tilespmem:s19], [sflag:$0x1], $0x2800, $0x38;
	[tilespmem:$0x1E800] =	vst v63  }
0x42: {  	_ =	swait.ge [sflag:s17], $0x2800  }
0x43: {  	[sflag:s17] =	ssyncset.done $0x0  }
0x44: {  	[sflag:s17] =	ssyncadd.s32 $0xFFFFD800  }
0x45: {  	[spmem:s16] =	stream.linear.scatter [tilespmem:s19], [sflag:$0x1], $0x2800, $0x38;
	[tilespmem:$0x1E800] =	vst v63  }
0x46: {  	_ =	swait.ge [sflag:s17], $0x2800  }
0x47: {  	[sflag:s17] =	ssyncset.done $0x0  }
0x48: {  	[sflag:s17] =	ssyncadd.s32 $0xFFFFD800  }
0x49: {  	s30 =	simm.s32 $0x0;
	[bflag:$0x0] =	sbarrier.arrive $0xFFFF  }
0x4a: {  	[tilespmem:s19], [sflag:$0x1] =	stream.indirect.gather [hbm4b:s4+s20], $0x80, s30, s20, $0xb8;
	[tilespmem:$0x1E800] =	vst v63  }
0x4b: {  	_ =	swait.ge [sflag:s17], $0x2800  }
0x4c: {  	[sflag:s17] =	ssyncset.done $0x0  }
0x4d: {  	s31 =	simm.s32 $0x4000;
	[sflag:s17] =	ssyncadd.s32 $0xFFFFD800  }
0x4e: {  	[spmem:s1] =	stream.indirect.scatter.add.f32 [tilespmem:s19], [sflag:$0x1], $0x80, s31, s20, $0xb8;
	[tilespmem:$0x1E800] =	vst v63  }
0x4f: {  	_ =	swait.ge [sflag:s17], $0x2800  }
0x50: {  	s24 =	simm.s32 $0x200;
	s25 =	simm.s32 $0x400;
	[sflag:s17] =	ssyncset.done $0x0  }
.LBB2_4:
0x51: {  	s26 =	sshra.s32 s24, $0x2  }
0x52: {  	[sflag:s17] =	ssyncadd.s32 $0xFFFFD800;
	s24 =	smov.u32 s25;
	s28 =	sadd.s32 $0x200, s25  }
0x53: {  	[tilespmem:s19], [sflag:$0x1] =	stream.indirect.gather [hbm4b:s4+s20], $0x80, s26, s20, $0xb8;
	[tilespmem:$0x1E800] =	vst v63  }
0x54: {  	p0 =	sne.s32 s25, $0xF800;
	_ =	swait.ge [sflag:s17], $0x2800  }
.Ltmp1:
0x55: {  	[sflag:s17] =	ssyncset.done $0x0;
	(pc) =	sbr.rel @p0 .LBB2_4-.Ltmp1, $4  }
0x56: {  	s25 =	sadd.s32 $0x4000, s26;
	[sflag:s17] =	ssyncadd.s32 $0xFFFFD800  }
0x57: {  	[spmem:s1] =	stream.indirect.scatter.add.f32 [tilespmem:s19], [sflag:$0x1], $0x80, s25, s20, $0xb8;
	[tilespmem:$0x1E800] =	vst v63  }
0x58: {  	_ =	swait.ge [sflag:s17], $0x2800  }
0x59: {  	s25 =	smov.u32 s28;
	[sflag:s17] =	ssyncset.done $0x0  }
0x5a: {  	s24 =	sshra.s32 s24, $0x2;
	[sflag:s17] =	ssyncadd.s32 $0xFFFFD800  }
0x5b: {  	[tilespmem:s19], [sflag:$0x1] =	stream.indirect.gather [hbm4b:s4+s20], $0x80, s24, s20, $0xb8;
	[tilespmem:$0x1E800] =	vst v63  }
0x5c: {  	_ =	swait.ge [sflag:s17], $0x2800  }
0x5d: {  	[sflag:s17] =	ssyncset.done $0x0  }
0x5e: {  	s24 =	sadd.s32 $0x4000, s24;
	[sflag:s17] =	ssyncadd.s32 $0xFFFFD800  }
0x5f: {  	[spmem:s1] =	stream.indirect.scatter.add.f32 [tilespmem:s19], [sflag:$0x1], $0x80, s24, s20, $0xb8;
	[tilespmem:$0x1E800] =	vst v63  }
0x60: {  	_ =	swait.ge [sflag:s17], $0x2800  }
0x61: {  	s23 =	sadd.s32 $0x1, s23;
	[sflag:s17] =	ssyncset.done $0x0  }
0x62: {  	p0 =	sne.s32 s23, s9;
	[sflag:s17] =	ssyncadd.s32 $0xFFFFD800  }
.Ltmp2:
0x63: {  	[bflag:$0x0] =	sbarrier.arrive $0xFFFF;
	(pc) =	sbr.rel @p0 .LBB2_1-.Ltmp2, $4  }
0x64: {  	[hbm:s7], [sflag:s21] =	dma.local [spmem:s22], $0x2800  }
0x65: {  	_ =	swait.ge [sflag:s17], $0x2800  }
0x66: {  	[sflag:s17] =	ssyncset.done $0x0  }
0x67: {  	[sflag:s17] =	ssyncadd.s32 $0xFFFFD800  }
0x68: {  	_ =	sfence.sel $0x180000  }
0x69: {  	[bflag:$0x0] =	sbarrier.arrive $0xFFFF  }
0x6a: {  	p0 =	sne.s32 s2, $0x0;
	_ =	strace $0x9000004A  }
0x6b: {  	s0 =	sadd.s32 @!p0 $0x100000, s0;
	[bflag:$0x2] =	sbarrier.arrive $0xFFFF  }
0x6c: {  	[sflag:s0] =	ssyncadd.tile.s32 @!p0 $0x1;
	_ =	shalt  }
.Lfunc_end2:
_tile_overlayer_lowered:
.L_overlay_start_2:
0x6d: {  	(tag) =	ssettag $0x2  }
0x6e: {  	s0 =	rddreg [dreg:$0x0];
	s2 =	stileid.u32  }
0x6f: {  	s1 =	rddreg [dreg:$0x1];
	p0 =	sne.s32 s2, $0x0  }
0x70: {  	s3 =	rddreg [dreg:$0x2];
	[bflag:$0x3] =	sbarrier.arrive $0xFFFF;
	s2 =	simm.s32 @!p0 $0x1C01  }
0x71: {  	[timem:s3], [sflag:s2] =	dma.local @!p0 [hbm:s0], s1  }
0x72: {  	s0 =	simm.s32 @!p0 $0x1  }
0x73: {  	_ =	swait.ge @!p0 [sflag:s0], s1  }
0x74: {  	s1 =	ssub.s32 @!p0 $0x0, s1;
	[sflag:s0] =	ssyncset.done @!p0 $0x0  }
0x75: {  	[sflag:s0] =	ssyncadd.s32 @!p0 s1  }
0x76: {  	[bflag:$0x3] =	sbarrier.arrive $0xFFFF  }
0x77: {  	_ =	shalt  }

// kernel: kernel.14.cloned.1.call-start
scs
__scs_entry_jumppad:
0x0: {  	(pc) =	sbr.rel $0x88, $3  }
0x1: {  	(tag) =	ssettag $0x0;
	lr =	simm.s32 $0x1  }
0x2: {  	[smem:$0x3F94] =	sst lr;
	_ =	strace $0xD0000000  }
0x3: {  	_ = 	snop  }
0x4: {  	_ = 	snop  }
0x5: {  	_ = 	snop  }
0x6: {  	_ = 	snop  }
0x7: {  	_ = 	snop  }
__scs_overlays_trampoline_lowered:
0x8: {  	[smem:$0x3FA3] =	sst s0  }
0x9: {  	[smem:$0x3FA4] =	sst s1  }
0xa: {  	[smem:$0x3FA5] =	sst s2  }
0xb: {  	[smem:$0x3FA6] =	sst s3  }
0xc: {  	[smem:$0x3FA7] =	sst s4  }
0xd: {  	[smem:$0x3FA8] =	sst s5  }
0xe: {  	[smem:$0x3FA9] =	sst s6  }
0xf: {  	[smem:$0x3FAA] =	sst s7  }
0x10: {  	[smem:$0x3FAB] =	sst s8  }
0x11: {  	[smem:$0x3FAC] =	sst s9;
	s0 =	simm.s32 @!p0 $0x0  }
0x12: {  	s1 =	sld [smem:$0x3F92];
	s0 =	simm.s32 @p0 $0x1  }
0x13: {  	[smem:$0x3FAD] =	sst s0;
	s0 =	simm.s32 @!p1 $0x0  }
0x14: {  	s2 =	sld [smem:$0x3F91];
	s0 =	simm.s32 @p1 $0x1  }
0x15: {  	[smem:$0x3FAE] =	sst s0;
	s0 =	simm.s32 @!p2 $0x0  }
0x16: {  	s3 =	sld [smem:$0x3FDB];
	s0 =	simm.s32 @p2 $0x1  }
0x17: {  	s4 =	simm.s32 $0x1BF5;
	[smem:$0x3FB0] =	sst s0  }
0x18: {  	s0 =	sld [smem:$0x3F93];
	_ =	swait.ge [sflag:s4], $0x0  }
0x19: {  	s7 =	sld [smem:$0x3F94]  }
0x1a: {  	s8 =	sadd.s32 $0xFFFFE003, lr  }
0x1b: {  	s9 =	sadd.s32 $0xFFFFFEF7, lr;
	s5 =	simm.s32 $0xFFFFFFFF;
	p2 =	slt.u32 s8, $0xFFFFF086  }
0x1c: {  	p1 =	slt.u32 s9, $0xF7A;
	s5 =	simm.s32 @!p2 $0x0  }
0x1d: {  	s5 =	simm.s32 @p1 $0x1;
	p0 =	seq.s32 s7, s2  }
0x1e: {  	s7 =	smul.u32 @!p0 $0xF7A, s2;
	p2 =	seq.s32 @!p0 s5, $0x0  }
0x1f: {  	s9 =	smul.u32 $0xF7A, s1;
	s8 =	simm.s32 @!p0 $0x1BF5;
	p2 =	por !p2, p0  }
0x20: {  	[sflag:s8] =	ssyncset.s32 @!p0 $0xFFFFF086;
	s6 =	sadd.s32 @!p0 s3, s7;
	s7 =	simm.s32 @!p0 $0x108  }
0x21: {  	s3 =	sadd.s32 s3, s9;
	s6 =	sadd.s32 @!p0 $0x88, s6;
	s7 =	simm.s32 @p2 $0x1082  }
0x22: {  	[simem:s7], [sflag:s8] =	dma.local @!p0 [hbm:s6], $0xF7A  }
0x23: {  	s9 =	sor.u32 $0xD0000000, s2;
	s6 =	simm.s32 $0x108;
	_ =	swait.ge @!p0 [sflag:s8], $0x0  }
0x24: {  	s3 =	sadd.s32 $0x88, s3;
	s6 =	simm.s32 @!p1 $0x1082;
	[sflag:s4] =	ssyncset.s32 $0xFFFFF086  }
0x25: {  	[simem:s6], [sflag:s4] =	dma.local [hbm:s3], $0xF7A  }
0x26: {  	[smem:$0x3F94] =	sst s1;
	(tag) =	ssettag s2;
	_ =	strace s9  }
0x27: {  	s1 =	sld [smem:$0x3FA4]  }
0x28: {  	s2 =	sld [smem:$0x3FA5]  }
0x29: {  	s4 =	sld [smem:$0x3FA7]  }
0x2a: {  	p0 =	seq.s32 s5, $0x0;
	s5 =	sld [smem:$0x3FA8]  }
0x2b: {  	s6 =	sld [smem:$0x3FA9]  }
0x2c: {  	s7 =	sld [smem:$0x3FAA]  }
0x2d: {  	s3 =	simm.s32 $0x108;
	s8 =	sld [smem:$0x3FAB]  }
0x2e: {  	s3 =	simm.s32 @!p0 $0x1082;
	s9 =	sld [smem:$0x3FAC]  }
0x2f: {  	lr =	sadd.s32 s0, s3;
	s0 =	sld [smem:$0x3FA3]  }
0x30: {  	s3 =	sld [smem:$0x3FA6]  }
0x31: {  	[smem:$0x3FAF] =	sst s10  }
0x32: {  	s10 =	sld [smem:$0x3FAD];
	_ =	sdelay $0x3  }
0x33: {  	p0 =	seq.s32 s10, $0x1;
	s10 =	sld [smem:$0x3FAF];
	_ =	sdelay $0x3  }
0x34: {  	[smem:$0x3FAF] =	sst s10  }
0x35: {  	s10 =	sld [smem:$0x3FAE];
	_ =	sdelay $0x3  }
0x36: {  	p1 =	seq.s32 s10, $0x1;
	s10 =	sld [smem:$0x3FAF];
	_ =	sdelay $0x3  }
0x37: {  	[smem:$0x3FAF] =	sst s10  }
0x38: {  	s10 =	sld [smem:$0x3FB0]  }
0x39: {  	_ = 	snop;
	(pc) =	sbr.ind lr, $3  }
0x3a: {  	_ = 	snop  }
0x3b: {  	_ = 	snop  }
0x3c: {  	p2 =	seq.s32 s10, $0x1;
	s10 =	sld [smem:$0x3FAF]  }
0x3d: {  	_ =	shalt  }
0x3e: {  	_ =	shalt  }
0x3f: {  	_ =	shalt  }
0x40: {  	_ =	shalt  }
0x41: {  	_ =	shalt  }
0x42: {  	_ =	shalt  }
0x43: {  	_ =	shalt  }
0x44: {  	_ =	shalt  }
0x45: {  	_ =	shalt  }
0x46: {  	_ =	shalt  }
0x47: {  	_ =	shalt  }
0x48: {  	_ =	shalt  }
0x49: {  	_ =	shalt  }
0x4a: {  	_ =	shalt  }
0x4b: {  	_ =	shalt  }
0x4c: {  	_ =	shalt  }
0x4d: {  	_ =	shalt  }
0x4e: {  	_ =	shalt  }
0x4f: {  	_ =	shalt  }
0x50: {  	_ =	shalt  }
0x51: {  	_ =	shalt  }
0x52: {  	_ =	shalt  }
0x53: {  	_ =	shalt  }
0x54: {  	_ =	shalt  }
0x55: {  	_ =	shalt  }
0x56: {  	_ =	shalt  }
0x57: {  	_ =	shalt  }
0x58: {  	_ =	shalt  }
0x59: {  	_ =	shalt  }
0x5a: {  	_ =	shalt  }
0x5b: {  	_ =	shalt  }
0x5c: {  	_ =	shalt  }
0x5d: {  	_ =	shalt  }
0x5e: {  	_ =	shalt  }
0x5f: {  	_ =	shalt  }
0x60: {  	_ =	shalt  }
0x61: {  	_ =	shalt  }
0x62: {  	_ =	shalt  }
0x63: {  	_ =	shalt  }
0x64: {  	_ =	shalt  }
0x65: {  	_ =	shalt  }
0x66: {  	_ =	shalt  }
0x67: {  	_ =	shalt  }
0x68: {  	_ =	shalt  }
0x69: {  	_ =	shalt  }
0x6a: {  	_ =	shalt  }
0x6b: {  	_ =	shalt  }
0x6c: {  	_ =	shalt  }
0x6d: {  	_ =	shalt  }
0x6e: {  	_ =	shalt  }
0x6f: {  	_ =	shalt  }
0x70: {  	_ =	shalt  }
0x71: {  	_ =	shalt  }
0x72: {  	_ =	shalt  }
0x73: {  	_ =	shalt  }
0x74: {  	_ =	shalt  }
0x75: {  	_ =	shalt  }
0x76: {  	_ =	shalt  }
0x77: {  	_ =	shalt  }
0x78: {  	_ =	shalt  }
0x79: {  	_ =	shalt  }
0x7a: {  	_ =	shalt  }
0x7b: {  	_ =	shalt  }
0x7c: {  	_ =	shalt  }
0x7d: {  	_ =	shalt  }
0x7e: {  	_ =	shalt  }
0x7f: {  	_ =	shalt  }
0x80: {  	_ =	shalt  }
0x81: {  	_ =	shalt  }
0x82: {  	_ =	shalt  }
0x83: {  	_ =	shalt  }
0x84: {  	_ =	shalt  }
0x85: {  	_ =	shalt  }
0x86: {  	_ =	shalt  }
0x87: {  	_ =	shalt  }
.Lfunc_end0:
.L_simem_size_0:
called_computation.2_lowered:
.L_overlay_start_0:
0x88: {  	s2 =	sld [smem:$0x3FD9]  }
0x89: {  	s3 =	sld [smem:$0x3FFE];
	_ =	sdelay $0x1  }
0x8a: {  	s1 =	srdreg.scid  }
0x8b: {  	s0 =	sand.u32 $0x1, s1  }
0x8c: {  	s16 =	sshll.u32 s0, $0xA;
	s2 =	sadd.s32 s3, s2  }
0x8d: {  	s2 =	sadd.s32 s2, s16  }
0x8e: {  	[smem:$0x3FBB] =	sst s2  }
0x8f: {  	_ = 	snop  }
0x90: {  	(tm) =	ssettm $0x1  }
0x91: {  	s17 =	sld [smem:$0x3FFB];
	_ =	sdelay $0x3  }
0x92: {  	_ =	strace s17  }
0x93: {  	s2 =	sld [smem:$0x3FFC];
	_ =	sdelay $0x3  }
0x94: {  	_ =	strace s2  }
0x95: {  	s2 =	sld [smem:$0x3FFD];
	_ =	sdelay $0x3  }
0x96: {  	_ =	strace s2  }
0x97: {  	_ =	strace $0x8FFFFFFF  }
0x98: {  	s18 =	sld [smem:$0x3FDB];
	_ =	sdelay $0x1  }
0x99: {  	s19 =	simm.s32 $_scs_section_size  }
0x9a: {  	s4 =	simm.s32 $_size__tile_overlayer_lowered;
	s5 =	simm.s32 $_tile_overlayer_lowered  }
0x9b: {  	s22 =	simm.s32 $0x1BFF;
	s21 =	sshll.u32 s5, $0x1;
	s2 =	sadd.s32 s19, s18  }
0x9c: {  	s6 =	simm.s32 $0x0;
	s20 =	sshll.u32 s4, $0x1;
	s4 =	sadd.s32 s21, s2  }
0x9d: {  	[timem:s6], [sflag:s22] =	dma.local [hbm:s4], s20  }
0x9e: {  	_ =	swait.ge [sflag:s22], s20  }
0x9f: {  	s3 =	ssub.s32 $0x0, s20;
	[sflag:s22] =	ssyncset.done $0x0  }
0xa0: {  	[sflag:s22] =	ssyncadd.s32 s3;
	_ =	sdelay $0x1  }
0xa1: {  	s23 =	simm.s32 $0x1B8B  }
0xa2: {  	_ =	swait.ge [sflag:s23], $0x1  }
0xa3: {  	[sflag:s23] =	ssyncset.done $0x0  }
0xa4: {  	s25 =	simm.s32 $0x1B8E;
	s24 =	sld [smem:$0x3FFE];
	[sflag:s23] =	ssyncadd.s32 $0xFFFFFFFF  }
0xa5: {  	s26 =	simm.s32 $execute0_lowered;
	[smem:$0x3FD2] =	sst s25  }
0xa6: {  	s4 =	sshll.u32 s26, $0x1;
	_ =	strace $0x8000004C;
	[dreg:$0x1] =	wrdreg $0xFFFFFFFF  }
0xa7: {  	s28 =	simm.s32 $_size_execute0_lowered;
	s2 =	sadd.s32 s2, s4;
	[dreg:$0x0] =	wrdreg $0x0  }
0xa8: {  	s4 =	sshll.u32 s28, $0x1;
	[dreg:$0x2] =	wrdreg s2  }
0xa9: {  	[dreg:$0x3] =	wrdreg s4  }
0xaa: {  	[dreg:$0x4] =	wrdreg $0xC0  }
0xab: {  	_ =	task [dreg:s6], $0x5FFFF  }
0xac: {  	[dreg:$0x1] =	wrdreg $0xFFFFFFFF  }
0xad: {  	[dreg:$0x0] =	wrdreg $0x60  }
0xae: {  	[dreg:$0x2] =	wrdreg s24  }
0xaf: {  	[dreg:$0x3] =	wrdreg $0xA8000  }
0xb0: {  	[dreg:$0x4] =	wrdreg $0x9  }
0xb1: {  	_ =	task.clear_ibuf [dreg:s6], $0x5FFFF;
	_ =	strace $0x9000004C  }
0xb2: {  	s29 =	simm.s32 $0x9;
	_ =	strace $0x8000004E  }
0xb3: {  	_ =	swait.ge [sflag:s29], $0x1  }
0xb4: {  	[sflag:s29] =	ssyncadd.s32 $0xFFFFFFFF  }
0xb5: {  	_ =	strace $0x9000004E  }
0xb6: {  	_ =	sfence  }
0xb7: {  	s30 =	sld [smem:$0x0];
	_ =	sdelay $0x2  }
0xb8: {  	s31 =	sshll.u32 s1, $0xD;
	s1 =	sshrl.u32 s1, $0x2  }
0xb9: {  	s3 =	sand.u32 $0x4000, s31;
	s1 =	sadd.s32 s1, s30  }
0xba: {  	s0 =	sor.u32 s3, s0;
	s1 =	sshll.u32 s1, $0x11  }
0xbb: {  	s0 =	sor.u32 s1, s0  }
0xbc: {  	s0 =	sadd.s32 $0x8F2B, s0  }
0xbd: {  	[sflag:s0] =	ssyncadd.remote.s32 $0x1  }
0xbe: {  	_ =	sfence.sel $0xFFFF  }
0xbf: {  	[dreg:$0x0] =	wrdreg $0xFFFFFFFF;
	(pc) =	sbr.abs _section_cstart, $3  }
0xc0: {  	[dreg:$0x1] =	wrdreg $0xFFFFFFFF  }
0xc1: {  	_ =	task.clear_ibuf [dreg:s6], $0x2FFFF;
	_ =	strace $0x9FFFFFFF  }
0xc2: {  	(tm) =	ssettm $0x7FFFFFFF  }
0xc3: {  	_ =	shalt  }
tec
execute0_lowered:
.L_overlay_start_1:
0x0: {  	(tag) =	ssettag $0x1  }
0x1: {  	s5 =	rddreg [dreg:$0x0]  }
0x2: {  	s1 =	rddreg [dreg:$0x1]  }
0x3: {  	s0 =	rddreg [dreg:$0x2];
	s3 =	simm.s32 $0x0;
	s2 =	srdreg.scid  }
0x4: {  	s17 =	simm.s32 $0x1;
	s18 =	simm.s32 $0x4000;
	s19 =	simm.s32 $0x8000  }
0x5: {  	s20 =	simm.s32 $0x50;
	[smem:$0x7FF] =	sst s3;
	s6 =	sand.u32 $0x1, s2  }
0x6: {  	s23 =	simm.s32 $0x0;
	s2 =	stileid.u32;
	s7 =	smul.u32 $0x140000, s6  }
0x7: {  	s4 =	sadd.s32 $0x23200, s5;
	_ =	strace $0x8000004D;
	s8 =	smul.u32 $0x14000, s2  }
0x8: {  	s9 =	sshll.u32 s6, $0xF;
	s10 =	sshll.u32 s2, $0xB;
	s6 =	ssub.s32 $0x2, s6  }
0x9: {  	s30 =	smul.u32 $0x50000, s2;
	s21 =	sshll.u32 s2, $0x6;
	s9 =	sor.u32 s10, s9  }
0xa: {  	s29 =	sshrl.u32 s6, $0x1;
	s21 =	sor.u32 $0x1C01, s21;
	s7 =	sadd.s32 s8, s7  }
0xb: {  	s9 =	sadd.s32 s9, s5;
	s11 =	ssub.s32 s6, s29;
	s31 =	sshrl.u32 s30, $0x2  }
0xc: {  	s7 =	sshrl.u32 s7, $0x3;
	s6 =	sadd.s32 $0x3200, s9;
	s8 =	sadd.s32 s31, s1  }
0xd: {  	s7 =	sadd.s32 s7, s5;
	s5 =	sadd.s32 $0x13200, s9;
	s9 =	smax.u32 s11, $0x1  }
0xe: {  	s10 =	sadd.s32 $0x2800, s8;
	s11 =	sadd.s32 $0x5000, s8;
	s12 =	sadd.s32 $0x7800, s8  }
0xf: {  	s13 =	sadd.s32 $0xA000, s8;
	s14 =	sadd.s32 $0xC800, s8;
	s15 =	sadd.s32 $0xF000, s8  }
0x10: {  	v0 =	vimm.f32 $0.0e+00;
	s16 =	sadd.s32 $0x11800, s8;
	s22 =	sshrl.u32 s8, $0x3;
	s7 =	sadd.s32 $0x4B200, s7  }
.LBB2_1:
0x11: {  	[tilespmem:s3], [sflag:$0x1] =	stream.linear.gather [hbm4b:s5+s3], $0x3E80, $0x38;
	[tilespmem:$0x1E800] =	vst v63  }
0x12: {  	_ =	swait.ge [sflag:s17], $0x3E80  }
0x13: {  	[sflag:s17] =	ssyncset.done $0x0  }
0x14: {  	[sflag:s17] =	ssyncadd.s32 $0xFFFFC180  }
0x15: {  	[tilespmem:s18], [sflag:$0x1] =	stream.linear.gather [hbm4b:s6+s3], $0x3E80, $0x38;
	[tilespmem:$0x1E800] =	vst v63  }
0x16: {  	_ =	swait.ge [sflag:s17], $0x3E80  }
0x17: {  	[sflag:s17] =	ssyncset.done $0x0  }
0x18: {  	s24 =	simm.s32 $0x70;
	s25 =	simm.s32 $0x3C0;
	[sflag:s17] =	ssyncadd.s32 $0xFFFFC180  }
.LBB2_2:
0x19: {  	p0 =	sne.s32 s25, $0x9FC0;
	[tilespmem:s24+$0x8000] =	vst v0  }
0x1a: {  	[tilespmem:s24+$0x7F90] =	vst v0  }
0x1b: {  	[tilespmem:s24+$0x7FA0] =	vst v0  }
.Ltmp0:
0x1c: {  	[tilespmem:s24+$0x7FB0] =	vst v0;
	(pc) =	sbr.rel @p0 .LBB2_2-.Ltmp0, $4  }
0x1d: {  	[tilespmem:s24+$0x7FC0] =	vst v0  }
0x1e: {  	[tilespmem:s24+$0x7FD0] =	vst v0  }
0x1f: {  	[tilespmem:s24+$0x7FE0] =	vst v0  }
0x20: {  	[tilespmem:s24+$0x7FF0] =	vst v0;
	s24 =	sshra.s32 s25, $0x2;
	s25 =	sadd.s32 $0x200, s25  }
0x21: {  	[tilespmem:s24+$0x8000] =	vst v0  }
0x22: {  	[tilespmem:s24+$0x7F90] =	vst v0  }
0x23: {  	[tilespmem:s24+$0x7FA0] =	vst v0  }
0x24: {  	[tilespmem:s24+$0x7FB0] =	vst v0  }
0x25: {  	[tilespmem:s24+$0x7FC0] =	vst v0  }
0x26: {  	[tilespmem:s24+$0x7FD0] =	vst v0  }
0x27: {  	[tilespmem:s24+$0x7FE0] =	vst v0  }
0x28: {  	[tilespmem:s24+$0x7FF0] =	vst v0  }
0x29: {  	[spmem:s8] =	stream.linear.scatter [tilespmem:s19], [sflag:$0x1], $0x2800, $0x38;
	[tilespmem:$0x1E800] =	vst v63  }
0x2a: {  	_ =	swait.ge [sflag:s17], $0x2800  }
0x2b: {  	[sflag:s17] =	ssyncset.done $0x0  }
0x2c: {  	[sflag:s17] =	ssyncadd.s32 $0xFFFFD800  }
0x2d: {  	[spmem:s10] =	stream.linear.scatter [tilespmem:s19], [sflag:$0x1], $0x2800, $0x38;
	[tilespmem:$0x1E800] =	vst v63  }
0x2e: {  	_ =	swait.ge [sflag:s17], $0x2800  }
0x2f: {  	[sflag:s17] =	ssyncset.done $0x0  }
0x30: {  	[sflag:s17] =	ssyncadd.s32 $0xFFFFD800  }
0x31: {  	[spmem:s11] =	stream.linear.scatter [tilespmem:s19], [sflag:$0x1], $0x2800, $0x38;
	[tilespmem:$0x1E800] =	vst v63  }
0x32: {  	_ =	swait.ge [sflag:s17], $0x2800  }
0x33: {  	[sflag:s17] =	ssyncset.done $0x0  }
0x34: {  	[sflag:s17] =	ssyncadd.s32 $0xFFFFD800  }
0x35: {  	[spmem:s12] =	stream.linear.scatter [tilespmem:s19], [sflag:$0x1], $0x2800, $0x38;
	[tilespmem:$0x1E800] =	vst v63  }
0x36: {  	_ =	swait.ge [sflag:s17], $0x2800  }
0x37: {  	[sflag:s17] =	ssyncset.done $0x0  }
0x38: {  	[sflag:s17] =	ssyncadd.s32 $0xFFFFD800  }
0x39: {  	[spmem:s13] =	stream.linear.scatter [tilespmem:s19], [sflag:$0x1], $0x2800, $0x38;
	[tilespmem:$0x1E800] =	vst v63  }
0x3a: {  	_ =	swait.ge [sflag:s17], $0x2800  }
0x3b: {  	[sflag:s17] =	ssyncset.done $0x0  }
0x3c: {  	[sflag:s17] =	ssyncadd.s32 $0xFFFFD800  }
0x3d: {  	[spmem:s14] =	stream.linear.scatter [tilespmem:s19], [sflag:$0x1], $0x2800, $0x38;
	[tilespmem:$0x1E800] =	vst v63  }
0x3e: {  	_ =	swait.ge [sflag:s17], $0x2800  }
0x3f: {  	[sflag:s17] =	ssyncset.done $0x0  }
0x40: {  	[sflag:s17] =	ssyncadd.s32 $0xFFFFD800  }
0x41: {  	[spmem:s15] =	stream.linear.scatter [tilespmem:s19], [sflag:$0x1], $0x2800, $0x38;
	[tilespmem:$0x1E800] =	vst v63  }
0x42: {  	_ =	swait.ge [sflag:s17], $0x2800  }
0x43: {  	[sflag:s17] =	ssyncset.done $0x0  }
0x44: {  	[sflag:s17] =	ssyncadd.s32 $0xFFFFD800  }
0x45: {  	[spmem:s16] =	stream.linear.scatter [tilespmem:s19], [sflag:$0x1], $0x2800, $0x38;
	[tilespmem:$0x1E800] =	vst v63  }
0x46: {  	_ =	swait.ge [sflag:s17], $0x2800  }
0x47: {  	[sflag:s17] =	ssyncset.done $0x0  }
0x48: {  	[sflag:s17] =	ssyncadd.s32 $0xFFFFD800  }
0x49: {  	s30 =	simm.s32 $0x0;
	[bflag:$0x0] =	sbarrier.arrive $0xFFFF  }
0x4a: {  	[tilespmem:s19], [sflag:$0x1] =	stream.indirect.gather [hbm4b:s4+s20], $0x80, s30, s20, $0xb8;
	[tilespmem:$0x1E800] =	vst v63  }
0x4b: {  	_ =	swait.ge [sflag:s17], $0x2800  }
0x4c: {  	[sflag:s17] =	ssyncset.done $0x0  }
0x4d: {  	s31 =	simm.s32 $0x4000;
	[sflag:s17] =	ssyncadd.s32 $0xFFFFD800  }
0x4e: {  	[spmem:s1] =	stream.indirect.scatter.add.f32 [tilespmem:s19], [sflag:$0x1], $0x80, s31, s20, $0xb8;
	[tilespmem:$0x1E800] =	vst v63  }
0x4f: {  	_ =	swait.ge [sflag:s17], $0x2800  }
0x50: {  	s24 =	simm.s32 $0x200;
	s25 =	simm.s32 $0x400;
	[sflag:s17] =	ssyncset.done $0x0  }
.LBB2_4:
0x51: {  	s26 =	sshra.s32 s24, $0x2  }
0x52: {  	[sflag:s17] =	ssyncadd.s32 $0xFFFFD800;
	s24 =	smov.u32 s25;
	s28 =	sadd.s32 $0x200, s25  }
0x53: {  	[tilespmem:s19], [sflag:$0x1] =	stream.indirect.gather [hbm4b:s4+s20], $0x80, s26, s20, $0xb8;
	[tilespmem:$0x1E800] =	vst v63  }
0x54: {  	p0 =	sne.s32 s25, $0xF800;
	_ =	swait.ge [sflag:s17], $0x2800  }
.Ltmp1:
0x55: {  	[sflag:s17] =	ssyncset.done $0x0;
	(pc) =	sbr.rel @p0 .LBB2_4-.Ltmp1, $4  }
0x56: {  	s25 =	sadd.s32 $0x4000, s26;
	[sflag:s17] =	ssyncadd.s32 $0xFFFFD800  }
0x57: {  	[spmem:s1] =	stream.indirect.scatter.add.f32 [tilespmem:s19], [sflag:$0x1], $0x80, s25, s20, $0xb8;
	[tilespmem:$0x1E800] =	vst v63  }
0x58: {  	_ =	swait.ge [sflag:s17], $0x2800  }
0x59: {  	s25 =	smov.u32 s28;
	[sflag:s17] =	ssyncset.done $0x0  }
0x5a: {  	s24 =	sshra.s32 s24, $0x2;
	[sflag:s17] =	ssyncadd.s32 $0xFFFFD800  }
0x5b: {  	[tilespmem:s19], [sflag:$0x1] =	stream.indirect.gather [hbm4b:s4+s20], $0x80, s24, s20, $0xb8;
	[tilespmem:$0x1E800] =	vst v63  }
0x5c: {  	_ =	swait.ge [sflag:s17], $0x2800  }
0x5d: {  	[sflag:s17] =	ssyncset.done $0x0  }
0x5e: {  	s24 =	sadd.s32 $0x4000, s24;
	[sflag:s17] =	ssyncadd.s32 $0xFFFFD800  }
0x5f: {  	[spmem:s1] =	stream.indirect.scatter.add.f32 [tilespmem:s19], [sflag:$0x1], $0x80, s24, s20, $0xb8;
	[tilespmem:$0x1E800] =	vst v63  }
0x60: {  	_ =	swait.ge [sflag:s17], $0x2800  }
0x61: {  	s23 =	sadd.s32 $0x1, s23;
	[sflag:s17] =	ssyncset.done $0x0  }
0x62: {  	p0 =	sne.s32 s23, s9;
	[sflag:s17] =	ssyncadd.s32 $0xFFFFD800  }
.Ltmp2:
0x63: {  	[bflag:$0x0] =	sbarrier.arrive $0xFFFF;
	(pc) =	sbr.rel @p0 .LBB2_1-.Ltmp2, $4  }
0x64: {  	[hbm:s7], [sflag:s21] =	dma.local [spmem:s22], $0x2800  }
0x65: {  	_ =	swait.ge [sflag:s17], $0x2800  }
0x66: {  	[sflag:s17] =	ssyncset.done $0x0  }
0x67: {  	[sflag:s17] =	ssyncadd.s32 $0xFFFFD800  }
0x68: {  	_ =	sfence.sel $0x180000  }
0x69: {  	[bflag:$0x0] =	sbarrier.arrive $0xFFFF  }
0x6a: {  	p0 =	sne.s32 s2, $0x0;
	_ =	strace $0x9000004D  }
0x6b: {  	s0 =	sadd.s32 @!p0 $0x100000, s0;
	[bflag:$0x2] =	sbarrier.arrive $0xFFFF  }
0x6c: {  	[sflag:s0] =	ssyncadd.tile.s32 @!p0 $0x1;
	_ =	shalt  }
.Lfunc_end2:
_tile_overlayer_lowered:
.L_overlay_start_2:
0x6d: {  	(tag) =	ssettag $0x2  }
0x6e: {  	s0 =	rddreg [dreg:$0x0];
	s2 =	stileid.u32  }
0x6f: {  	s1 =	rddreg [dreg:$0x1];
	p0 =	sne.s32 s2, $0x0  }
0x70: {  	s3 =	rddreg [dreg:$0x2];
	[bflag:$0x3] =	sbarrier.arrive $0xFFFF;
	s2 =	simm.s32 @!p0 $0x1C01  }
0x71: {  	[timem:s3], [sflag:s2] =	dma.local @!p0 [hbm:s0], s1  }
0x72: {  	s0 =	simm.s32 @!p0 $0x1  }
0x73: {  	_ =	swait.ge @!p0 [sflag:s0], s1  }
0x74: {  	s1 =	ssub.s32 @!p0 $0x0, s1;
	[sflag:s0] =	ssyncset.done @!p0 $0x0  }
0x75: {  	[sflag:s0] =	ssyncadd.s32 @!p0 s1  }
0x76: {  	[bflag:$0x3] =	sbarrier.arrive $0xFFFF  }
0x77: {  	_ =	shalt  }

// kernel: kernel.8.cloned.1.call-start
scs
__scs_entry_jumppad:
0x0: {  	(pc) =	sbr.rel $0x88, $3  }
0x1: {  	(tag) =	ssettag $0x0;
	lr =	simm.s32 $0x1  }
0x2: {  	[smem:$0x3F94] =	sst lr;
	_ =	strace $0xD0000000  }
0x3: {  	_ = 	snop  }
0x4: {  	_ = 	snop  }
0x5: {  	_ = 	snop  }
0x6: {  	_ = 	snop  }
0x7: {  	_ = 	snop  }
__scs_overlays_trampoline_lowered:
0x8: {  	[smem:$0x3FA3] =	sst s0  }
0x9: {  	[smem:$0x3FA4] =	sst s1  }
0xa: {  	[smem:$0x3FA5] =	sst s2  }
0xb: {  	[smem:$0x3FA6] =	sst s3  }
0xc: {  	[smem:$0x3FA7] =	sst s4  }
0xd: {  	[smem:$0x3FA8] =	sst s5  }
0xe: {  	[smem:$0x3FA9] =	sst s6  }
0xf: {  	[smem:$0x3FAA] =	sst s7  }
0x10: {  	[smem:$0x3FAB] =	sst s8  }
0x11: {  	[smem:$0x3FAC] =	sst s9;
	s0 =	simm.s32 @!p0 $0x0  }
0x12: {  	s1 =	sld [smem:$0x3F92];
	s0 =	simm.s32 @p0 $0x1  }
0x13: {  	[smem:$0x3FAD] =	sst s0;
	s0 =	simm.s32 @!p1 $0x0  }
0x14: {  	s2 =	sld [smem:$0x3F91];
	s0 =	simm.s32 @p1 $0x1  }
0x15: {  	[smem:$0x3FAE] =	sst s0;
	s0 =	simm.s32 @!p2 $0x0  }
0x16: {  	s3 =	sld [smem:$0x3FDB];
	s0 =	simm.s32 @p2 $0x1  }
0x17: {  	s4 =	simm.s32 $0x1BF5;
	[smem:$0x3FB0] =	sst s0  }
0x18: {  	s0 =	sld [smem:$0x3F93];
	_ =	swait.ge [sflag:s4], $0x0  }
0x19: {  	s7 =	sld [smem:$0x3F94]  }
0x1a: {  	s8 =	sadd.s32 $0xFFFFE003, lr  }
0x1b: {  	s9 =	sadd.s32 $0xFFFFFEF7, lr;
	s5 =	simm.s32 $0xFFFFFFFF;
	p2 =	slt.u32 s8, $0xFFFFF086  }
0x1c: {  	p1 =	slt.u32 s9, $0xF7A;
	s5 =	simm.s32 @!p2 $0x0  }
0x1d: {  	s5 =	simm.s32 @p1 $0x1;
	p0 =	seq.s32 s7, s2  }
0x1e: {  	s7 =	smul.u32 @!p0 $0xF7A, s2;
	p2 =	seq.s32 @!p0 s5, $0x0  }
0x1f: {  	s9 =	smul.u32 $0xF7A, s1;
	s8 =	simm.s32 @!p0 $0x1BF5;
	p2 =	por !p2, p0  }
0x20: {  	[sflag:s8] =	ssyncset.s32 @!p0 $0xFFFFF086;
	s6 =	sadd.s32 @!p0 s3, s7;
	s7 =	simm.s32 @!p0 $0x108  }
0x21: {  	s3 =	sadd.s32 s3, s9;
	s6 =	sadd.s32 @!p0 $0x88, s6;
	s7 =	simm.s32 @p2 $0x1082  }
0x22: {  	[simem:s7], [sflag:s8] =	dma.local @!p0 [hbm:s6], $0xF7A  }
0x23: {  	s9 =	sor.u32 $0xD0000000, s2;
	s6 =	simm.s32 $0x108;
	_ =	swait.ge @!p0 [sflag:s8], $0x0  }
0x24: {  	s3 =	sadd.s32 $0x88, s3;
	s6 =	simm.s32 @!p1 $0x1082;
	[sflag:s4] =	ssyncset.s32 $0xFFFFF086  }
0x25: {  	[simem:s6], [sflag:s4] =	dma.local [hbm:s3], $0xF7A  }
0x26: {  	[smem:$0x3F94] =	sst s1;
	(tag) =	ssettag s2;
	_ =	strace s9  }
0x27: {  	s1 =	sld [smem:$0x3FA4]  }
0x28: {  	s2 =	sld [smem:$0x3FA5]  }
0x29: {  	s4 =	sld [smem:$0x3FA7]  }
0x2a: {  	p0 =	seq.s32 s5, $0x0;
	s5 =	sld [smem:$0x3FA8]  }
0x2b: {  	s6 =	sld [smem:$0x3FA9]  }
0x2c: {  	s7 =	sld [smem:$0x3FAA]  }
0x2d: {  	s3 =	simm.s32 $0x108;
	s8 =	sld [smem:$0x3FAB]  }
0x2e: {  	s3 =	simm.s32 @!p0 $0x1082;
	s9 =	sld [smem:$0x3FAC]  }
0x2f: {  	lr =	sadd.s32 s0, s3;
	s0 =	sld [smem:$0x3FA3]  }
0x30: {  	s3 =	sld [smem:$0x3FA6]  }
0x31: {  	[smem:$0x3FAF] =	sst s10  }
0x32: {  	s10 =	sld [smem:$0x3FAD];
	_ =	sdelay $0x3  }
0x33: {  	p0 =	seq.s32 s10, $0x1;
	s10 =	sld [smem:$0x3FAF];
	_ =	sdelay $0x3  }
0x34: {  	[smem:$0x3FAF] =	sst s10  }
0x35: {  	s10 =	sld [smem:$0x3FAE];
	_ =	sdelay $0x3  }
0x36: {  	p1 =	seq.s32 s10, $0x1;
	s10 =	sld [smem:$0x3FAF];
	_ =	sdelay $0x3  }
0x37: {  	[smem:$0x3FAF] =	sst s10  }
0x38: {  	s10 =	sld [smem:$0x3FB0]  }
0x39: {  	_ = 	snop;
	(pc) =	sbr.ind lr, $3  }
0x3a: {  	_ = 	snop  }
0x3b: {  	_ = 	snop  }
0x3c: {  	p2 =	seq.s32 s10, $0x1;
	s10 =	sld [smem:$0x3FAF]  }
0x3d: {  	_ =	shalt  }
0x3e: {  	_ =	shalt  }
0x3f: {  	_ =	shalt  }
0x40: {  	_ =	shalt  }
0x41: {  	_ =	shalt  }
0x42: {  	_ =	shalt  }
0x43: {  	_ =	shalt  }
0x44: {  	_ =	shalt  }
0x45: {  	_ =	shalt  }
0x46: {  	_ =	shalt  }
0x47: {  	_ =	shalt  }
0x48: {  	_ =	shalt  }
0x49: {  	_ =	shalt  }
0x4a: {  	_ =	shalt  }
0x4b: {  	_ =	shalt  }
0x4c: {  	_ =	shalt  }
0x4d: {  	_ =	shalt  }
0x4e: {  	_ =	shalt  }
0x4f: {  	_ =	shalt  }
0x50: {  	_ =	shalt  }
0x51: {  	_ =	shalt  }
0x52: {  	_ =	shalt  }
0x53: {  	_ =	shalt  }
0x54: {  	_ =	shalt  }
0x55: {  	_ =	shalt  }
0x56: {  	_ =	shalt  }
0x57: {  	_ =	shalt  }
0x58: {  	_ =	shalt  }
0x59: {  	_ =	shalt  }
0x5a: {  	_ =	shalt  }
0x5b: {  	_ =	shalt  }
0x5c: {  	_ =	shalt  }
0x5d: {  	_ =	shalt  }
0x5e: {  	_ =	shalt  }
0x5f: {  	_ =	shalt  }
0x60: {  	_ =	shalt  }
0x61: {  	_ =	shalt  }
0x62: {  	_ =	shalt  }
0x63: {  	_ =	shalt  }
0x64: {  	_ =	shalt  }
0x65: {  	_ =	shalt  }
0x66: {  	_ =	shalt  }
0x67: {  	_ =	shalt  }
0x68: {  	_ =	shalt  }
0x69: {  	_ =	shalt  }
0x6a: {  	_ =	shalt  }
0x6b: {  	_ =	shalt  }
0x6c: {  	_ =	shalt  }
0x6d: {  	_ =	shalt  }
0x6e: {  	_ =	shalt  }
0x6f: {  	_ =	shalt  }
0x70: {  	_ =	shalt  }
0x71: {  	_ =	shalt  }
0x72: {  	_ =	shalt  }
0x73: {  	_ =	shalt  }
0x74: {  	_ =	shalt  }
0x75: {  	_ =	shalt  }
0x76: {  	_ =	shalt  }
0x77: {  	_ =	shalt  }
0x78: {  	_ =	shalt  }
0x79: {  	_ =	shalt  }
0x7a: {  	_ =	shalt  }
0x7b: {  	_ =	shalt  }
0x7c: {  	_ =	shalt  }
0x7d: {  	_ =	shalt  }
0x7e: {  	_ =	shalt  }
0x7f: {  	_ =	shalt  }
0x80: {  	_ =	shalt  }
0x81: {  	_ =	shalt  }
0x82: {  	_ =	shalt  }
0x83: {  	_ =	shalt  }
0x84: {  	_ =	shalt  }
0x85: {  	_ =	shalt  }
0x86: {  	_ =	shalt  }
0x87: {  	_ =	shalt  }
.Lfunc_end0:
.L_simem_size_0:
called_computation_lowered:
.L_overlay_start_0:
0x88: {  	s2 =	sld [smem:$0x3FD9]  }
0x89: {  	s3 =	sld [smem:$0x3FFE];
	_ =	sdelay $0x1  }
0x8a: {  	s1 =	srdreg.scid  }
0x8b: {  	s0 =	sand.u32 $0x1, s1  }
0x8c: {  	s16 =	sshll.u32 s0, $0xA;
	s2 =	sadd.s32 s3, s2  }
0x8d: {  	s2 =	sadd.s32 s2, s16  }
0x8e: {  	[smem:$0x3FBB] =	sst s2  }
0x8f: {  	_ = 	snop  }
0x90: {  	(tm) =	ssettm $0x1  }
0x91: {  	s17 =	sld [smem:$0x3FFB];
	_ =	sdelay $0x3  }
0x92: {  	_ =	strace s17  }
0x93: {  	s2 =	sld [smem:$0x3FFC];
	_ =	sdelay $0x3  }
0x94: {  	_ =	strace s2  }
0x95: {  	s2 =	sld [smem:$0x3FFD];
	_ =	sdelay $0x3  }
0x96: {  	_ =	strace s2  }
0x97: {  	_ =	strace $0x8FFFFFFF  }
0x98: {  	s18 =	sld [smem:$0x3FDB];
	_ =	sdelay $0x1  }
0x99: {  	s19 =	simm.s32 $_scs_section_size  }
0x9a: {  	s4 =	simm.s32 $_size__tile_overlayer_lowered;
	s5 =	simm.s32 $_tile_overlayer_lowered  }
0x9b: {  	s22 =	simm.s32 $0x1BFF;
	s21 =	sshll.u32 s5, $0x1;
	s2 =	sadd.s32 s19, s18  }
0x9c: {  	s6 =	simm.s32 $0x0;
	s20 =	sshll.u32 s4, $0x1;
	s4 =	sadd.s32 s21, s2  }
0x9d: {  	[timem:s6], [sflag:s22] =	dma.local [hbm:s4], s20  }
0x9e: {  	_ =	swait.ge [sflag:s22], s20  }
0x9f: {  	s3 =	ssub.s32 $0x0, s20;
	[sflag:s22] =	ssyncset.done $0x0  }
0xa0: {  	[sflag:s22] =	ssyncadd.s32 s3;
	_ =	sdelay $0x1  }
0xa1: {  	s23 =	simm.s32 $0x1B8B  }
0xa2: {  	_ =	swait.ge [sflag:s23], $0x1  }
0xa3: {  	[sflag:s23] =	ssyncset.done $0x0  }
0xa4: {  	s25 =	simm.s32 $0x1B8E;
	s24 =	sld [smem:$0x3FFE];
	[sflag:s23] =	ssyncadd.s32 $0xFFFFFFFF  }
0xa5: {  	s26 =	simm.s32 $execute0_lowered;
	[smem:$0x3FD2] =	sst s25  }
0xa6: {  	s4 =	sshll.u32 s26, $0x1;
	_ =	strace $0x80000046;
	[dreg:$0x1] =	wrdreg $0xFFFFFFFF  }
0xa7: {  	s28 =	simm.s32 $_size_execute0_lowered;
	s2 =	sadd.s32 s2, s4;
	[dreg:$0x0] =	wrdreg $0x0  }
0xa8: {  	s4 =	sshll.u32 s28, $0x1;
	[dreg:$0x2] =	wrdreg s2  }
0xa9: {  	[dreg:$0x3] =	wrdreg s4  }
0xaa: {  	[dreg:$0x4] =	wrdreg $0xC0  }
0xab: {  	_ =	task [dreg:s6], $0x5FFFF  }
0xac: {  	[dreg:$0x1] =	wrdreg $0xFFFFFFFF  }
0xad: {  	[dreg:$0x0] =	wrdreg $0x60  }
0xae: {  	[dreg:$0x2] =	wrdreg s24  }
0xaf: {  	[dreg:$0x3] =	wrdreg $0x83000  }
0xb0: {  	[dreg:$0x4] =	wrdreg $0x85800  }
0xb1: {  	[dreg:$0x5] =	wrdreg $0x9  }
0xb2: {  	_ =	task.clear_ibuf [dreg:s6], $0x6FFFF;
	_ =	strace $0x90000046  }
0xb3: {  	s29 =	simm.s32 $0x9;
	_ =	strace $0x80000048  }
0xb4: {  	_ =	swait.ge [sflag:s29], $0x1  }
0xb5: {  	[sflag:s29] =	ssyncadd.s32 $0xFFFFFFFF  }
0xb6: {  	_ =	strace $0x90000048  }
0xb7: {  	_ =	sfence  }
0xb8: {  	s30 =	sld [smem:$0x0];
	_ =	sdelay $0x2  }
0xb9: {  	s31 =	sshll.u32 s1, $0xD;
	s1 =	sshrl.u32 s1, $0x2  }
0xba: {  	s3 =	sand.u32 $0x4000, s31;
	s1 =	sadd.s32 s1, s30  }
0xbb: {  	s0 =	sor.u32 s3, s0;
	s1 =	sshll.u32 s1, $0x11  }
0xbc: {  	s0 =	sor.u32 s1, s0  }
0xbd: {  	s0 =	sadd.s32 $0x8F2B, s0  }
0xbe: {  	[sflag:s0] =	ssyncadd.remote.s32 $0x1  }
0xbf: {  	_ =	sfence.sel $0xFFFF  }
0xc0: {  	[dreg:$0x0] =	wrdreg $0xFFFFFFFF;
	(pc) =	sbr.abs _section_cstart, $3  }
0xc1: {  	[dreg:$0x1] =	wrdreg $0xFFFFFFFF  }
0xc2: {  	_ =	task.clear_ibuf [dreg:s6], $0x2FFFF;
	_ =	strace $0x9FFFFFFF  }
0xc3: {  	(tm) =	ssettm $0x7FFFFFFF  }
tec
execute0_lowered:
.L_overlay_start_1:
0x0: {  	(tag) =	ssettag $0x1  }
0x1: {  	s5 =	rddreg [dreg:$0x0]  }
0x2: {  	s2 =	rddreg [dreg:$0x1]  }
0x3: {  	s0 =	srdreg.scid;
	s3 =	rddreg [dreg:$0x2]  }
0x4: {  	s1 =	stileid.u32;
	s4 =	simm.s32 $0x0;
	s12 =	simm.s32 $0x3  }
0x5: {  	s13 =	simm.s32 $0x4000;
	s14 =	simm.s32 $0x8080;
	s15 =	simm.s32 $0x50  }
0x6: {  	s16 =	simm.s32 $0x8000;
	s17 =	simm.s32 $0x80;
	s18 =	simm.s32 $0x4080  }
0x7: {  	s19 =	simm.s32 $0x100;
	s20 =	simm.s32 $0x4100;
	s21 =	simm.s32 $0x180  }
0x8: {  	s22 =	simm.s32 $0x4180;
	s23 =	simm.s32 $0x1;
	s24 =	simm.s32 $0x2  }
0x9: {  	s25 =	simm.s32 $0x20;
	s28 =	simm.s32 $0x0;
	s8 =	smul.u32 $0x500, s1  }
0xa: {  	s6 =	sand.u32 $0x1, s0;
	s0 =	rddreg [dreg:$0x3];
	s31 =	smul.u32 $0x280, s1  }
0xb: {  	[smem:$0x7FF] =	sst s4;
	s10 =	sshll.u32 s1, $0xB;
	s7 =	smul.u32 $0x5000, s6  }
0xc: {  	s9 =	sshll.u32 s6, $0xF;
	_ =	strace $0x80000047;
	s6 =	ssub.s32 $0x2, s6  }
0xd: {  	s9 =	sor.u32 s10, s9;
	s30 =	sshrl.u32 s6, $0x1;
	s7 =	sadd.s32 s8, s7  }
0xe: {  	s26 =	sadd.s32 s9, s5;
	s11 =	ssub.s32 s6, s30;
	s8 =	sadd.s32 s31, s3  }
0xf: {  	s7 =	sshrl.u32 s7, $0x3;
	s6 =	sadd.s32 $0x3200, s26;
	s11 =	smax.u32 s11, $0x1  }
0x10: {  	s29 =	sadd.s32 s7, s5;
	s5 =	sadd.s32 $0x13200, s26;
	s7 =	sadd.s32 s31, s2  }
0x11: {  	v0 =	vimm.f32 $1.000000000e+00;
	v1 =	vimm.f32 $0.0e+00;
	s26 =	simm.s32 $0x10;
	s9 =	sadd.s32 $0x23200, s29;
	s10 =	sadd.s32 $0x23210, s29  }
.LBB2_1:
0x12: {  	[tilespmem:s4], [sflag:$0x3] =	stream.linear.gather [hbm4b:s5+s4], $0x3E80, $0x38;
	[tilespmem:$0x8800] =	vst v63  }
0x13: {  	_ =	swait.ge [sflag:s12], $0x3E80  }
0x14: {  	[sflag:s12] =	ssyncset.done $0x0  }
0x15: {  	[sflag:s12] =	ssyncadd.s32 $0xFFFFC180  }
0x16: {  	[tilespmem:s13], [sflag:$0x3] =	stream.linear.gather [hbm4b:s6+s4], $0x3E80, $0x38;
	[tilespmem:$0x8800] =	vst v63  }
0x17: {  	_ =	swait.ge [sflag:s12], $0x3E80  }
0x18: {  	[sflag:s12] =	ssyncset.done $0x0  }
0x19: {  	[sflag:s12] =	ssyncadd.s32 $0xFFFFC180  }
0x1a: {  	[tilespmem:$0x8000] =	vst v0  }
0x1b: {  	[tilespmem:$0x8010] =	vst v0  }
0x1c: {  	[tilespmem:$0x8020] =	vst v0  }
0x1d: {  	[tilespmem:$0x8030] =	vst v0  }
0x1e: {  	[tilespmem:$0x8040] =	vst v0  }
0x1f: {  	[tilespmem:$0x8080] =	vst v1  }
0x20: {  	[tilespmem:$0x8090] =	vst v1  }
0x21: {  	[tilespmem:$0x80A0] =	vst v1  }
0x22: {  	[tilespmem:$0x80B0] =	vst v1  }
0x23: {  	[tilespmem:$0x80C0] =	vst v1  }
0x24: {  	[tilespmem:$0x80D0] =	vst v1  }
0x25: {  	[tilespmem:$0x80E0] =	vst v1  }
0x26: {  	[tilespmem:$0x80F0] =	vst v1  }
0x27: {  	[tilespmem:$0x8100] =	vst v1  }
0x28: {  	[tilespmem:$0x8110] =	vst v1  }
0x29: {  	[tilespmem:$0x8120] =	vst v1  }
0x2a: {  	[tilespmem:$0x8130] =	vst v1  }
0x2b: {  	[tilespmem:$0x8140] =	vst v1  }
0x2c: {  	[tilespmem:$0x8150] =	vst v1  }
0x2d: {  	[tilespmem:$0x8160] =	vst v1  }
0x2e: {  	[tilespmem:$0x8170] =	vst v1  }
0x2f: {  	[tilespmem:$0x8180] =	vst v1  }
0x30: {  	[tilespmem:$0x8190] =	vst v1  }
0x31: {  	[tilespmem:$0x81A0] =	vst v1  }
0x32: {  	[tilespmem:$0x81B0] =	vst v1  }
0x33: {  	[tilespmem:$0x81C0] =	vst v1  }
0x34: {  	[tilespmem:$0x81D0] =	vst v1  }
0x35: {  	[tilespmem:$0x81E0] =	vst v1  }
0x36: {  	[tilespmem:$0x81F0] =	vst v1  }
0x37: {  	[tilespmem:$0x8200] =	vst v1  }
0x38: {  	[tilespmem:$0x8210] =	vst v1  }
0x39: {  	[tilespmem:$0x8220] =	vst v1  }
0x3a: {  	[tilespmem:$0x8230] =	vst v1  }
0x3b: {  	[tilespmem:$0x8240] =	vst v1  }
0x3c: {  	[tilespmem:$0x8250] =	vst v1  }
0x3d: {  	[tilespmem:$0x8260] =	vst v1  }
0x3e: {  	[tilespmem:$0x8270] =	vst v1  }
0x3f: {  	[tilespmem:$0x8280] =	vst v1  }
0x40: {  	[tilespmem:$0x8290] =	vst v1  }
0x41: {  	[tilespmem:$0x82A0] =	vst v1  }
0x42: {  	[tilespmem:$0x82B0] =	vst v1  }
0x43: {  	[tilespmem:$0x82C0] =	vst v1  }
0x44: {  	[tilespmem:$0x82D0] =	vst v1  }
0x45: {  	[tilespmem:$0x82E0] =	vst v1  }
0x46: {  	[tilespmem:$0x82F0] =	vst v1  }
0x47: {  	[spmem:s7] =	stream.linear.scatter [tilespmem:s14], [sflag:$0x3], $0x280, $0x38;
	[tilespmem:$0x8800] =	vst v63  }
0x48: {  	_ =	swait.ge [sflag:s12], $0x280  }
0x49: {  	[sflag:s12] =	ssyncset.done $0x0  }
0x4a: {  	[sflag:s12] =	ssyncadd.s32 $0xFFFFFD80  }
0x4b: {  	[spmem:s8] =	stream.linear.scatter [tilespmem:s14], [sflag:$0x3], $0x280, $0x38;
	[tilespmem:$0x8800] =	vst v63  }
0x4c: {  	_ =	swait.ge [sflag:s12], $0x280  }
0x4d: {  	[sflag:s12] =	ssyncset.done $0x0  }
0x4e: {  	[sflag:s12] =	ssyncadd.s32 $0xFFFFFD80  }
0x4f: {  	[bflag:$0x0] =	sbarrier.arrive $0xFFFF  }
0x50: {  	[spmem:s2] =	stream.indirect.scatter.add.f32 [tilespmem:s16], [sflag:$0x1], $0x1, s4, s15, $0xb8;
	[tilespmem:$0x8800] =	vst v63  }
0x51: {  	_ = 	snop  }
0x52: {  	[spmem:s3] =	stream.indirect.scatter.add.f32 [tilespmem:s16], [sflag:$0x2], $0x1, s13, s15, $0xb8;
	[tilespmem:$0x8800] =	vst v63  }
0x53: {  	_ = 	snop  }
0x54: {  	[spmem:s2] =	stream.indirect.scatter.add.f32 [tilespmem:s16], [sflag:$0x1], $0x1, s17, s15, $0xb8;
	[tilespmem:$0x8800] =	vst v63  }
0x55: {  	_ = 	snop  }
0x56: {  	[spmem:s3] =	stream.indirect.scatter.add.f32 [tilespmem:s16], [sflag:$0x2], $0x1, s18, s15, $0xb8;
	[tilespmem:$0x8800] =	vst v63  }
0x57: {  	_ = 	snop  }
0x58: {  	[spmem:s2] =	stream.indirect.scatter.add.f32 [tilespmem:s16], [sflag:$0x1], $0x1, s19, s15, $0xb8;
	[tilespmem:$0x8800] =	vst v63  }
0x59: {  	_ = 	snop  }
0x5a: {  	[spmem:s3] =	stream.indirect.scatter.add.f32 [tilespmem:s16], [sflag:$0x2], $0x1, s20, s15, $0xb8;
	[tilespmem:$0x8800] =	vst v63  }
0x5b: {  	_ = 	snop  }
0x5c: {  	[spmem:s2] =	stream.indirect.scatter.add.f32 [tilespmem:s16], [sflag:$0x1], $0x1, s21, s15, $0xb8;
	[tilespmem:$0x8800] =	vst v63  }
0x5d: {  	_ = 	snop  }
0x5e: {  	[spmem:s3] =	stream.indirect.scatter.add.f32 [tilespmem:s16], [sflag:$0x2], $0x1, s22, s15, $0xb8;
	[tilespmem:$0x8800] =	vst v63  }
0x5f: {  	_ =	swait.ge [sflag:s23], $0x50  }
0x60: {  	[sflag:s23] =	ssyncset.done $0x0  }
0x61: {  	[sflag:s23] =	ssyncadd.s32 $0xFFFFFFB0  }
0x62: {  	_ =	swait.ge [sflag:s24], $0x50  }
0x63: {  	[sflag:s24] =	ssyncset.done $0x0  }
0x64: {  	s29 =	simm.s32 $0x200;
	[sflag:s24] =	ssyncadd.s32 $0xFFFFFFB0  }
0x65: {  	[spmem:s2] =	stream.indirect.scatter.add.f32 [tilespmem:s16], [sflag:$0x1], $0x1, s29, s15, $0xb8;
	[tilespmem:$0x8800] =	vst v63  }
0x66: {  	s30 =	simm.s32 $0x4200;
	s29 =	simm.s32 $0xA00  }
.LBB2_2:
0x67: {  	[spmem:s3] =	stream.indirect.scatter.add.f32 [tilespmem:s16], [sflag:$0x2], $0x1, s30, s15, $0xb8;
	[tilespmem:$0x8800] =	vst v63  }
0x68: {  	s30 =	smov.u32 s29  }
0x69: {  	p0 =	sne.s32 s29, $0xF800;
	s29 =	sadd.s32 $0x200, s29;
	_ =	swait.ge [sflag:s23], $0x50  }
0x6a: {  	[sflag:s23] =	ssyncset.done $0x0  }
0x6b: {  	[sflag:s23] =	ssyncadd.s32 $0xFFFFFFB0  }
.Ltmp0:
0x6c: {  	_ =	swait.ge [sflag:s24], $0x50;
	(pc) =	sbr.rel @p0 .LBB2_2-.Ltmp0, $4  }
0x6d: {  	[sflag:s24] =	ssyncset.done $0x0  }
0x6e: {  	s30 =	sshra.s32 s30, $0x2;
	[sflag:s24] =	ssyncadd.s32 $0xFFFFFFB0  }
0x6f: {  	[spmem:s2] =	stream.indirect.scatter.add.f32 [tilespmem:s16], [sflag:$0x1], $0x1, s30, s15, $0xb8;
	[tilespmem:$0x8800] =	vst v63  }
0x70: {  	s30 =	sadd.s32 $0x4000, s30  }
0x71: {  	[spmem:s3] =	stream.indirect.scatter.add.f32 [tilespmem:s16], [sflag:$0x2], $0x1, s30, s15, $0xb8;
	[tilespmem:$0x8800] =	vst v63  }
0x72: {  	_ =	swait.ge [sflag:s23], $0x50  }
0x73: {  	[sflag:s23] =	ssyncset.done $0x0  }
0x74: {  	[sflag:s23] =	ssyncadd.s32 $0xFFFFFFB0  }
0x75: {  	_ =	swait.ge [sflag:s24], $0x50  }
0x76: {  	[sflag:s24] =	ssyncset.done $0x0  }
0x77: {  	[sflag:s24] =	ssyncadd.s32 $0xFFFFFFB0  }
0x78: {  	_ =	swait.ge [sflag:s23], $0x50  }
0x79: {  	[sflag:s23] =	ssyncset.done $0x0  }
0x7a: {  	[sflag:s23] =	ssyncadd.s32 $0xFFFFFFB0  }
0x7b: {  	_ =	swait.ge [sflag:s24], $0x50  }
0x7c: {  	[sflag:s24] =	ssyncset.done $0x0  }
0x7d: {  	[sflag:s24] =	ssyncadd.s32 $0xFFFFFFB0  }
0x7e: {  	_ =	swait.ge [sflag:s23], $0x50  }
0x7f: {  	[sflag:s23] =	ssyncset.done $0x0  }
0x80: {  	[sflag:s23] =	ssyncadd.s32 $0xFFFFFFB0  }
0x81: {  	_ =	swait.ge [sflag:s24], $0x50  }
0x82: {  	[sflag:s24] =	ssyncset.done $0x0  }
0x83: {  	[sflag:s24] =	ssyncadd.s32 $0xFFFFFFB0  }
0x84: {  	_ =	swait.ge [sflag:s23], $0x50  }
0x85: {  	[sflag:s23] =	ssyncset.done $0x0  }
0x86: {  	[sflag:s23] =	ssyncadd.s32 $0xFFFFFFB0  }
0x87: {  	_ =	swait.ge [sflag:s24], $0x50  }
0x88: {  	[sflag:s24] =	ssyncset.done $0x0  }
0x89: {  	s29 =	sshll.u32 s1, $0x6;
	[sflag:s24] =	ssyncadd.s32 $0xFFFFFFB0  }
0x8a: {  	s31 =	sshrl.u32 s7, $0x3;
	s29 =	sor.u32 $0x1C03, s29;
	[bflag:$0x0] =	sbarrier.arrive $0xFFFF  }
0x8b: {  	[hbm:s9@s25], [sflag:s29] =	dma.strided [spmem:s31@s26], $0x50, s23, $0x10   }
0x8c: {  	s28 =	sadd.s32 $0x1, s28;
	_ =	swait.ge [sflag:s12], $0x50  }
0x8d: {  	p0 =	sne.s32 s28, s11;
	[sflag:s12] =	ssyncset.done $0x0  }
.Ltmp1:
0x8e: {  	s31 =	sshrl.u32 s8, $0x3;
	[sflag:s12] =	ssyncadd.s32 $0xFFFFFFB0;
	(pc) =	sbr.rel @p0 .LBB2_1-.Ltmp1, $4  }
0x8f: {  	[hbm:s10@s25], [sflag:s29] =	dma.strided [spmem:s31@s26], $0x50, s23, $0x10   }
0x90: {  	_ =	swait.ge [sflag:s12], $0x50  }
0x91: {  	[sflag:s12] =	ssyncset.done $0x0  }
0x92: {  	[sflag:s12] =	ssyncadd.s32 $0xFFFFFFB0  }
0x93: {  	_ =	sfence.sel $0x180000  }
0x94: {  	[bflag:$0x0] =	sbarrier.arrive $0xFFFF  }
0x95: {  	p0 =	sne.s32 s1, $0x0;
	_ =	strace $0x90000047  }
0x96: {  	s0 =	sadd.s32 @!p0 $0x100000, s0;
	[bflag:$0x2] =	sbarrier.arrive $0xFFFF  }
0x97: {  	[sflag:s0] =	ssyncadd.tile.s32 @!p0 $0x1;
	_ =	shalt  }
.Lfunc_end2:
_tile_overlayer_lowered:
.L_overlay_start_2:
0x98: {  	(tag) =	ssettag $0x2  }
0x99: {  	s0 =	rddreg [dreg:$0x0];
	s2 =	stileid.u32  }
0x9a: {  	s1 =	rddreg [dreg:$0x1];
	p0 =	sne.s32 s2, $0x0  }
0x9b: {  	s3 =	rddreg [dreg:$0x2];
	[bflag:$0x3] =	sbarrier.arrive $0xFFFF;
	s2 =	simm.s32 @!p0 $0x1C03  }
0x9c: {  	[timem:s3], [sflag:s2] =	dma.local @!p0 [hbm:s0], s1  }
0x9d: {  	s0 =	simm.s32 @!p0 $0x3  }
0x9e: {  	_ =	swait.ge @!p0 [sflag:s0], s1  }
0x9f: {  	s1 =	ssub.s32 @!p0 $0x0, s1;
	[sflag:s0] =	ssyncset.done @!p0 $0x0  }
0xa0: {  	[sflag:s0] =	ssyncadd.s32 @!p0 s1  }
0xa1: {  	[bflag:$0x3] =	sbarrier.arrive $0xFFFF  }
0xa2: {  	_ =	shalt  }

</sc_bundles>
